<compile_context>
chip_gen: v7x
topology: tpu7x:2x2x1
jax: 0.10.2.dev20260603
libtpu: 0.0.44.dev20260713+nightly
codegen_flags: <defaults>
</compile_context>

<pallas_src>
import jax
import jax.numpy as jnp
from jax import lax
from jax.experimental import pallas as pl
from jax.experimental.pallas import tpu as pltpu
from jax.experimental.pallas import tpu_sc as plsc

_B, _C, _K, _L = 16, 144, 128, 256
_C_TIME = 128
_NC, _NS = 2, 16


def _tc_body(tab_ref, out_ref, pat_out, scr_time, scr_pat, sems, psem):
    ci = jax.lax.broadcasted_iota(jnp.int32, (_C_TIME, _L), 0)
    li = jax.lax.broadcasted_iota(jnp.int32, (_C_TIME, _L), 1)
    c_rem = ci - (ci // 2) * 2
    c_even = (ci - c_rem).astype(jnp.float32)
    ln10000 = 9.210340371976184
    div = jnp.exp(c_even * (-ln10000 / 128.0))
    angle = li.astype(jnp.float32) * div
    pe = jnp.where(c_rem == 0, jnp.sin(angle), jnp.cos(angle))
    tab_t = tab_ref[...].T
    scr_pat[...] = jnp.broadcast_to(tab_t[:, :, None], (_C - _C_TIME, _K, _L))
    pcopy = pltpu.make_async_copy(scr_pat, pat_out, psem)
    pcopy.start()
    scr_time[...] = jnp.broadcast_to(pe[:, None, :], (_C_TIME, _K, _L))
    copies = []
    for b in range(_B):
        copies.append(
            pltpu.make_async_copy(
                scr_time, out_ref.at[b, pl.ds(0, _C_TIME)], sems.at[b]
            )
        )
        copies[-1].start()
    pcopy.wait()
    for c in copies:
        c.wait()


def _tc_fill(table):
    return pl.pallas_call(
        _tc_body,
        in_specs=[pl.BlockSpec((_K, _C - _C_TIME), lambda: (0, 0))],
        out_specs=[
            pl.BlockSpec(memory_space=pl.ANY),
            pl.BlockSpec(memory_space=pl.ANY),
        ],
        out_shape=[
            jax.ShapeDtypeStruct((_B, _C, _K, _L), jnp.float32),
            jax.ShapeDtypeStruct((_C - _C_TIME, _K, _L), jnp.float32),
        ],
        scratch_shapes=[
            pltpu.VMEM((_C_TIME, _K, _L), jnp.float32),
            pltpu.VMEM((_C - _C_TIME, _K, _L), jnp.float32),
            pltpu.SemaphoreType.DMA((_B,)),
            pltpu.SemaphoreType.DMA,
        ],
    )(table)


def _sc_body(pat_hbm, out_hbm_ref, pat_v, sem):
    wid = lax.axis_index("s") * _NC + lax.axis_index("c")
    j = wid % 16
    bhalf = wid // 16
    pltpu.sync_copy(pat_hbm.at[j], pat_v)
    copies = []
    for i in range(8):
        b = bhalf * 8 + i
        copies.append(
            pltpu.async_copy(pat_v, out_hbm_ref.at[b, _C_TIME + j], sem)
        )
    for c in copies:
        c.wait()


def _sc_fill_inplace(patterns, big_ref):
    mesh = plsc.VectorSubcoreMesh(
        core_axis_name="c", subcore_axis_name="s",
        num_cores=_NC, num_subcores=_NS,
    )
    f = pl.kernel(
        _sc_body,
        out_type=(),
        mesh=mesh,
        scratch_types=[
            pltpu.VMEM((_K, _L), jnp.float32),
            pltpu.SemaphoreType.DMA,
        ],
    )
    f(patterns, big_ref)


def kernel(cond_mask, table):
    del cond_mask
    big, patterns = _tc_fill(table)
    ref = jax.new_ref(big)
    _sc_fill_inplace(patterns, ref)
    return ref[...]

# --- scband reference (transcript-rebuilt; emitter-appended) ---
"""Pipeline reference for scband-side-info-24601572671641 (READ-ONLY COPY).

The authoritative reference and input builder live on the scoring server;
editing this copy changes nothing except your own understanding.
"""

import jax, jax.numpy as jnp
import numpy as np


def setup_inputs(seed: int = 0) -> dict:
    key = jax.random.key(seed)
    k1, k2 = jax.random.split(key)
    cond_mask = jax.random.uniform(k1, (16, 1, 128, 256), dtype=jnp.float32)
    table = jax.random.normal(k2, (128, 16), dtype=jnp.float32)
    return {"cond_mask": cond_mask, "table": table}


def reference(cond_mask, table):
    B, _, K, L = cond_mask.shape
    # time embedding (sinusoidal, d=128), matching SideInfo.get_time
    pos = jnp.broadcast_to(jnp.arange(L, dtype=jnp.float32)[None, :], (B, L))
    div_term = 1.0 / jnp.power(10000.0, jnp.arange(0, 128, 2, dtype=jnp.float32) / 128.0)
    angles = pos[:, :, None] * div_term[None, None, :]  # [B, L, 64]
    # interleave sin at even channels, cos at odd channels -> [B, L, 128]
    pe = jnp.stack([jnp.sin(angles), jnp.cos(angles)], axis=-1).reshape(B, L, 128)
    time_embed = jnp.broadcast_to(pe[:, :, None, :], (B, L, K, 128))
    # feature embedding: gather full table with arange (embedding lookup)
    feature_embed = jnp.take(table, jnp.arange(K), axis=0)  # [K, 16]
    feature_embed = jnp.broadcast_to(feature_embed[None, None, :, :], (B, L, K, 16))
    side_info = jnp.concatenate([time_embed, feature_embed], axis=-1)  # [B, L, K, 144]
    side_info = jnp.transpose(side_info, (0, 3, 2, 1))  # [B, 144, K, L]
    return side_info

if __name__ == "__main__":
    import jax
    _d = setup_inputs()
    print(jax.jit(kernel)(*tuple(_d.values())))

</pallas_src>

<mosaic_0001>
#map = affine_map<(d0, d1) -> (0, 0, 0)>
#map1 = affine_map<(d0, d1) -> (0, 0, 0, 0)>
module attributes {stable_mosaic.version = 14 : i64} {
  func.func @new_body(%arg0: i32, %arg1: i32, %arg2: memref<16x128x256xf32, #tpu.memory_space<hbm>>, %arg3: memref<16x144x128x256xf32, #tpu.memory_space<hbm>>, %arg4: memref<16x144x128x256xf32, #tpu.memory_space<hbm>>, %arg5: memref<128x256xf32, #tpu.memory_space<vmem>>, %arg6: memref<!tpu.dma_semaphore, #tpu.memory_space<semaphore_mem>>) attributes {dimension_semantics = [#tpu.dimension_semantics<core_parallel>, #tpu.dimension_semantics<subcore_parallel>], iteration_bounds = array<i64: 2, 16>, scalar_prefetch = 0 : i64, scratch_operands = 2 : i64, tpu.core_type = #tpu.core_type<sc_vector_subcore>, window_params = [{transform_indices = #map}, {transform_indices = #map1}, {transform_indices = #map1}]} {
    %mul3A = arith.constant 2 : i32
    %mul3A_0 = arith.muli %arg1, %mul3A : i32
    %add3A = arith.addi %mul3A_0, %arg0 : i32
    %jit3A = arith.constant 16 : i32
    %eq3A = arith.constant 0 : i32
    %eq3A_1 = arith.cmpi eq, %jit3A, %eq3A : i32
    %jit3A_2 = arith.constant 1 : i32
    %select_n3A = arith.select %eq3A_1, %jit3A_2, %jit3A : i32
    %rem3A = arith.remsi %add3A, %select_n3A : i32
    %ne3A = arith.constant 0 : i32
    %ne3A_3 = arith.cmpi ne, %rem3A, %ne3A : i32
    %lt3A = arith.constant 0 : i32
    %lt3A_4 = arith.cmpi slt, %rem3A, %lt3A : i32
    %lt3A_5 = arith.constant 0 : i32
    %lt3A_6 = arith.cmpi slt, %select_n3A, %lt3A_5 : i32
    %ne3A_7 = arith.xori %lt3A_4, %lt3A_6 : i1
    %and3A = arith.andi %ne3A_7, %ne3A_3 : i1
    %add3A_8 = arith.addi %rem3A, %select_n3A : i32
    %select_n3A_9 = arith.select %and3A, %add3A_8, %rem3A : i32
    %jit3A_10 = arith.constant 16 : i32
    %div3A = arith.divsi %add3A, %jit3A_10 : i32
    %sign3A = arith.constant 0 : i32
    %sign3A_11 = arith.cmpi sgt, %add3A, %sign3A : i32
    %sign3A_12 = arith.extui %sign3A_11 : i1 to i32
    %sign3A_13 = arith.constant 0 : i32
    %sign3A_14 = arith.cmpi slt, %add3A, %sign3A_13 : i32
    %sign3A_15 = arith.extui %sign3A_14 : i1 to i32
    %sign3A_16 = arith.subi %sign3A_12, %sign3A_15 : i32
    %sign3A_17 = arith.constant 0 : i32
    %sign3A_18 = arith.cmpi sgt, %jit3A_10, %sign3A_17 : i32
    %sign3A_19 = arith.extui %sign3A_18 : i1 to i32
    %sign3A_20 = arith.constant 0 : i32
    %sign3A_21 = arith.cmpi slt, %jit3A_10, %sign3A_20 : i32
    %sign3A_22 = arith.extui %sign3A_21 : i1 to i32
    %sign3A_23 = arith.subi %sign3A_19, %sign3A_22 : i32
    %ne3A_24 = arith.cmpi ne, %sign3A_16, %sign3A_23 : i32
    %rem3A_25 = arith.remsi %add3A, %jit3A_10 : i32
    %ne3A_26 = arith.constant 0 : i32
    %ne3A_27 = arith.cmpi ne, %rem3A_25, %ne3A_26 : i32
    %and3A_28 = arith.andi %ne3A_24, %ne3A_27 : i1
    %sub3A = arith.constant 1 : i32
    %sub3A_29 = arith.subi %div3A, %sub3A : i32
    %select_n3A_30 = arith.select %and3A_28, %sub3A_29, %div3A : i32
    "tpu.region"() ({
      %run_scoped3A = tpu.sem_alloc : memref<!tpu.dma_semaphore, #tpu.memory_space<semaphore_mem>>
      %dma_start3A_205 = arith.constant 0 : i32
      %dma_start3A_206 = arith.constant 0 : i32
      %dma_start3A_207 = tpu.memref_slice %arg2[%select_n3A_9, %dma_start3A_205, %dma_start3A_206] : memref<16x128x256xf32, #tpu.memory_space<hbm>> -> memref<1x128x256xf32, #tpu.memory_space<hbm>>
      %dma_start3A_208 = tpu.memref_squeeze %dma_start3A_207 : memref<1x128x256xf32, #tpu.memory_space<hbm>> -> memref<128x256xf32, #tpu.memory_space<hbm>>
      %dma_start3A_209 = arith.constant 0 : i32
      %dma_start3A_210 = arith.constant 0 : i32
      %dma_start3A_211 = tpu.memref_slice %arg2[%select_n3A_9, %dma_start3A_209, %dma_start3A_210] : memref<16x128x256xf32, #tpu.memory_space<hbm>> -> memref<1x128x256xf32, #tpu.memory_space<hbm>>
      %dma_start3A_212 = tpu.memref_squeeze %dma_start3A_211 : memref<1x128x256xf32, #tpu.memory_space<hbm>> -> memref<128x256xf32, #tpu.memory_space<hbm>>
      tpu.enqueue_dma source(%dma_start3A_212 : memref<128x256xf32, #tpu.memory_space<hbm>>) target(%arg5 : memref<128x256xf32, #tpu.memory_space<vmem>>) target_semaphore(%run_scoped3A : memref<!tpu.dma_semaphore, #tpu.memory_space<semaphore_mem>>)
      %dma_wait3A_213 = arith.constant 0 : i32
      %dma_wait3A_214 = arith.constant 0 : i32
      %dma_wait3A_215 = tpu.memref_slice %arg2[%select_n3A_9, %dma_wait3A_213, %dma_wait3A_214] : memref<16x128x256xf32, #tpu.memory_space<hbm>> -> memref<1x128x256xf32, #tpu.memory_space<hbm>>
      %dma_wait3A_216 = tpu.memref_squeeze %dma_wait3A_215 : memref<1x128x256xf32, #tpu.memory_space<hbm>> -> memref<128x256xf32, #tpu.memory_space<hbm>>
      %dma_wait3A_217 = arith.constant 0 : i32
      %dma_wait3A_218 = arith.constant 0 : i32
      %dma_wait3A_219 = tpu.memref_slice %arg2[%select_n3A_9, %dma_wait3A_217, %dma_wait3A_218] : memref<16x128x256xf32, #tpu.memory_space<hbm>> -> memref<1x128x256xf32, #tpu.memory_space<hbm>>
      %dma_wait3A_220 = tpu.memref_squeeze %dma_wait3A_219 : memref<1x128x256xf32, #tpu.memory_space<hbm>> -> memref<128x256xf32, #tpu.memory_space<hbm>>
      tpu.wait_dma2 semaphore(%run_scoped3A : memref<!tpu.dma_semaphore, #tpu.memory_space<semaphore_mem>>) src(%dma_wait3A_220 : memref<128x256xf32, #tpu.memory_space<hbm>>) dst(%arg5 : memref<128x256xf32, #tpu.memory_space<vmem>>)
      tpu.yield
    }) : () -> ()
    %mul3A_31 = arith.constant 8 : i32
    %mul3A_32 = arith.muli %select_n3A_30, %mul3A_31 : i32
    %add3A_33 = arith.constant 0 : i32
    %add3A_34 = arith.addi %mul3A_32, %add3A_33 : i32
    %add3A_35 = arith.constant 128 : i32
    %add3A_36 = arith.addi %add3A_35, %select_n3A_9 : i32
    %dma_start3A = arith.constant 0 : i32
    %dma_start3A_37 = arith.constant 0 : i32
    %dma_start3A_38 = tpu.memref_slice %arg3[%add3A_34, %add3A_36, %dma_start3A, %dma_start3A_37] : memref<16x144x128x256xf32, #tpu.memory_space<hbm>> -> memref<1x1x128x256xf32, #tpu.memory_space<hbm>>
    %dma_start3A_39 = tpu.memref_squeeze %dma_start3A_38 : memref<1x1x128x256xf32, #tpu.memory_space<hbm>> -> memref<128x256xf32, #tpu.memory_space<hbm>>
    %dma_start3A_40 = arith.constant 0 : i32
    %dma_start3A_41 = arith.constant 0 : i32
    %dma_start3A_42 = tpu.memref_slice %arg3[%add3A_34, %add3A_36, %dma_start3A_40, %dma_start3A_41] : memref<16x144x128x256xf32, #tpu.memory_space<hbm>> -> memref<1x1x128x256xf32, #tpu.memory_space<hbm>>
    %dma_start3A_43 = tpu.memref_squeeze %dma_start3A_42 : memref<1x1x128x256xf32, #tpu.memory_space<hbm>> -> memref<128x256xf32, #tpu.memory_space<hbm>>
    tpu.enqueue_dma source(%arg5 : memref<128x256xf32, #tpu.memory_space<vmem>>) target(%dma_start3A_43 : memref<128x256xf32, #tpu.memory_space<hbm>>) target_semaphore(%arg6 : memref<!tpu.dma_semaphore, #tpu.memory_space<semaphore_mem>>)
    %mul3A_44 = arith.constant 8 : i32
    %mul3A_45 = arith.muli %select_n3A_30, %mul3A_44 : i32
    %add3A_46 = arith.constant 1 : i32
    %add3A_47 = arith.addi %mul3A_45, %add3A_46 : i32
    %add3A_48 = arith.constant 128 : i32
    %add3A_49 = arith.addi %add3A_48, %select_n3A_9 : i32
    %dma_start3A_50 = arith.constant 0 : i32
    %dma_start3A_51 = arith.constant 0 : i32
    %dma_start3A_52 = tpu.memref_slice %arg3[%add3A_47, %add3A_49, %dma_start3A_50, %dma_start3A_51] : memref<16x144x128x256xf32, #tpu.memory_space<hbm>> -> memref<1x1x128x256xf32, #tpu.memory_space<hbm>>
    %dma_start3A_53 = tpu.memref_squeeze %dma_start3A_52 : memref<1x1x128x256xf32, #tpu.memory_space<hbm>> -> memref<128x256xf32, #tpu.memory_space<hbm>>
    %dma_start3A_54 = arith.constant 0 : i32
    %dma_start3A_55 = arith.constant 0 : i32
    %dma_start3A_56 = tpu.memref_slice %arg3[%add3A_47, %add3A_49, %dma_start3A_54, %dma_start3A_55] : memref<16x144x128x256xf32, #tpu.memory_space<hbm>> -> memref<1x1x128x256xf32, #tpu.memory_space<hbm>>
    %dma_start3A_57 = tpu.memref_squeeze %dma_start3A_56 : memref<1x1x128x256xf32, #tpu.memory_space<hbm>> -> memref<128x256xf32, #tpu.memory_space<hbm>>
    tpu.enqueue_dma source(%arg5 : memref<128x256xf32, #tpu.memory_space<vmem>>) target(%dma_start3A_57 : memref<128x256xf32, #tpu.memory_space<hbm>>) target_semaphore(%arg6 : memref<!tpu.dma_semaphore, #tpu.memory_space<semaphore_mem>>)
    %mul3A_58 = arith.constant 8 : i32
    %mul3A_59 = arith.muli %select_n3A_30, %mul3A_58 : i32
    %add3A_60 = arith.constant 2 : i32
    %add3A_61 = arith.addi %mul3A_59, %add3A_60 : i32
    %add3A_62 = arith.constant 128 : i32
    %add3A_63 = arith.addi %add3A_62, %select_n3A_9 : i32
    %dma_start3A_64 = arith.constant 0 : i32
    %dma_start3A_65 = arith.constant 0 : i32
    %dma_start3A_66 = tpu.memref_slice %arg3[%add3A_61, %add3A_63, %dma_start3A_64, %dma_start3A_65] : memref<16x144x128x256xf32, #tpu.memory_space<hbm>> -> memref<1x1x128x256xf32, #tpu.memory_space<hbm>>
    %dma_start3A_67 = tpu.memref_squeeze %dma_start3A_66 : memref<1x1x128x256xf32, #tpu.memory_space<hbm>> -> memref<128x256xf32, #tpu.memory_space<hbm>>
    %dma_start3A_68 = arith.constant 0 : i32
    %dma_start3A_69 = arith.constant 0 : i32
    %dma_start3A_70 = tpu.memref_slice %arg3[%add3A_61, %add3A_63, %dma_start3A_68, %dma_start3A_69] : memref<16x144x128x256xf32, #tpu.memory_space<hbm>> -> memref<1x1x128x256xf32, #tpu.memory_space<hbm>>
    %dma_start3A_71 = tpu.memref_squeeze %dma_start3A_70 : memref<1x1x128x256xf32, #tpu.memory_space<hbm>> -> memref<128x256xf32, #tpu.memory_space<hbm>>
    tpu.enqueue_dma source(%arg5 : memref<128x256xf32, #tpu.memory_space<vmem>>) target(%dma_start3A_71 : memref<128x256xf32, #tpu.memory_space<hbm>>) target_semaphore(%arg6 : memref<!tpu.dma_semaphore, #tpu.memory_space<semaphore_mem>>)
    %mul3A_72 = arith.constant 8 : i32
    %mul3A_73 = arith.muli %select_n3A_30, %mul3A_72 : i32
    %add3A_74 = arith.constant 3 : i32
    %add3A_75 = arith.addi %mul3A_73, %add3A_74 : i32
    %add3A_76 = arith.constant 128 : i32
    %add3A_77 = arith.addi %add3A_76, %select_n3A_9 : i32
    %dma_start3A_78 = arith.constant 0 : i32
    %dma_start3A_79 = arith.constant 0 : i32
    %dma_start3A_80 = tpu.memref_slice %arg3[%add3A_75, %add3A_77, %dma_start3A_78, %dma_start3A_79] : memref<16x144x128x256xf32, #tpu.memory_space<hbm>> -> memref<1x1x128x256xf32, #tpu.memory_space<hbm>>
    %dma_start3A_81 = tpu.memref_squeeze %dma_start3A_80 : memref<1x1x128x256xf32, #tpu.memory_space<hbm>> -> memref<128x256xf32, #tpu.memory_space<hbm>>
    %dma_start3A_82 = arith.constant 0 : i32
    %dma_start3A_83 = arith.constant 0 : i32
    %dma_start3A_84 = tpu.memref_slice %arg3[%add3A_75, %add3A_77, %dma_start3A_82, %dma_start3A_83] : memref<16x144x128x256xf32, #tpu.memory_space<hbm>> -> memref<1x1x128x256xf32, #tpu.memory_space<hbm>>
    %dma_start3A_85 = tpu.memref_squeeze %dma_start3A_84 : memref<1x1x128x256xf32, #tpu.memory_space<hbm>> -> memref<128x256xf32, #tpu.memory_space<hbm>>
    tpu.enqueue_dma source(%arg5 : memref<128x256xf32, #tpu.memory_space<vmem>>) target(%dma_start3A_85 : memref<128x256xf32, #tpu.memory_space<hbm>>) target_semaphore(%arg6 : memref<!tpu.dma_semaphore, #tpu.memory_space<semaphore_mem>>)
    %mul3A_86 = arith.constant 8 : i32
    %mul3A_87 = arith.muli %select_n3A_30, %mul3A_86 : i32
    %add3A_88 = arith.constant 4 : i32
    %add3A_89 = arith.addi %mul3A_87, %add3A_88 : i32
    %add3A_90 = arith.constant 128 : i32
    %add3A_91 = arith.addi %add3A_90, %select_n3A_9 : i32
    %dma_start3A_92 = arith.constant 0 : i32
    %dma_start3A_93 = arith.constant 0 : i32
    %dma_start3A_94 = tpu.memref_slice %arg3[%add3A_89, %add3A_91, %dma_start3A_92, %dma_start3A_93] : memref<16x144x128x256xf32, #tpu.memory_space<hbm>> -> memref<1x1x128x256xf32, #tpu.memory_space<hbm>>
    %dma_start3A_95 = tpu.memref_squeeze %dma_start3A_94 : memref<1x1x128x256xf32, #tpu.memory_space<hbm>> -> memref<128x256xf32, #tpu.memory_space<hbm>>
    %dma_start3A_96 = arith.constant 0 : i32
    %dma_start3A_97 = arith.constant 0 : i32
    %dma_start3A_98 = tpu.memref_slice %arg3[%add3A_89, %add3A_91, %dma_start3A_96, %dma_start3A_97] : memref<16x144x128x256xf32, #tpu.memory_space<hbm>> -> memref<1x1x128x256xf32, #tpu.memory_space<hbm>>
    %dma_start3A_99 = tpu.memref_squeeze %dma_start3A_98 : memref<1x1x128x256xf32, #tpu.memory_space<hbm>> -> memref<128x256xf32, #tpu.memory_space<hbm>>
    tpu.enqueue_dma source(%arg5 : memref<128x256xf32, #tpu.memory_space<vmem>>) target(%dma_start3A_99 : memref<128x256xf32, #tpu.memory_space<hbm>>) target_semaphore(%arg6 : memref<!tpu.dma_semaphore, #tpu.memory_space<semaphore_mem>>)
    %mul3A_100 = arith.constant 8 : i32
    %mul3A_101 = arith.muli %select_n3A_30, %mul3A_100 : i32
    %add3A_102 = arith.constant 5 : i32
    %add3A_103 = arith.addi %mul3A_101, %add3A_102 : i32
    %add3A_104 = arith.constant 128 : i32
    %add3A_105 = arith.addi %add3A_104, %select_n3A_9 : i32
    %dma_start3A_106 = arith.constant 0 : i32
    %dma_start3A_107 = arith.constant 0 : i32
    %dma_start3A_108 = tpu.memref_slice %arg3[%add3A_103, %add3A_105, %dma_start3A_106, %dma_start3A_107] : memref<16x144x128x256xf32, #tpu.memory_space<hbm>> -> memref<1x1x128x256xf32, #tpu.memory_space<hbm>>
    %dma_start3A_109 = tpu.memref_squeeze %dma_start3A_108 : memref<1x1x128x256xf32, #tpu.memory_space<hbm>> -> memref<128x256xf32, #tpu.memory_space<hbm>>
    %dma_start3A_110 = arith.constant 0 : i32
    %dma_start3A_111 = arith.constant 0 : i32
    %dma_start3A_112 = tpu.memref_slice %arg3[%add3A_103, %add3A_105, %dma_start3A_110, %dma_start3A_111] : memref<16x144x128x256xf32, #tpu.memory_space<hbm>> -> memref<1x1x128x256xf32, #tpu.memory_space<hbm>>
    %dma_start3A_113 = tpu.memref_squeeze %dma_start3A_112 : memref<1x1x128x256xf32, #tpu.memory_space<hbm>> -> memref<128x256xf32, #tpu.memory_space<hbm>>
    tpu.enqueue_dma source(%arg5 : memref<128x256xf32, #tpu.memory_space<vmem>>) target(%dma_start3A_113 : memref<128x256xf32, #tpu.memory_space<hbm>>) target_semaphore(%arg6 : memref<!tpu.dma_semaphore, #tpu.memory_space<semaphore_mem>>)
    %mul3A_114 = arith.constant 8 : i32
    %mul3A_115 = arith.muli %select_n3A_30, %mul3A_114 : i32
    %add3A_116 = arith.constant 6 : i32
    %add3A_117 = arith.addi %mul3A_115, %add3A_116 : i32
    %add3A_118 = arith.constant 128 : i32
    %add3A_119 = arith.addi %add3A_118, %select_n3A_9 : i32
    %dma_start3A_120 = arith.constant 0 : i32
    %dma_start3A_121 = arith.constant 0 : i32
    %dma_start3A_122 = tpu.memref_slice %arg3[%add3A_117, %add3A_119, %dma_start3A_120, %dma_start3A_121] : memref<16x144x128x256xf32, #tpu.memory_space<hbm>> -> memref<1x1x128x256xf32, #tpu.memory_space<hbm>>
    %dma_start3A_123 = tpu.memref_squeeze %dma_start3A_122 : memref<1x1x128x256xf32, #tpu.memory_space<hbm>> -> memref<128x256xf32, #tpu.memory_space<hbm>>
    %dma_start3A_124 = arith.constant 0 : i32
    %dma_start3A_125 = arith.constant 0 : i32
    %dma_start3A_126 = tpu.memref_slice %arg3[%add3A_117, %add3A_119, %dma_start3A_124, %dma_start3A_125] : memref<16x144x128x256xf32, #tpu.memory_space<hbm>> -> memref<1x1x128x256xf32, #tpu.memory_space<hbm>>
    %dma_start3A_127 = tpu.memref_squeeze %dma_start3A_126 : memref<1x1x128x256xf32, #tpu.memory_space<hbm>> -> memref<128x256xf32, #tpu.memory_space<hbm>>
    tpu.enqueue_dma source(%arg5 : memref<128x256xf32, #tpu.memory_space<vmem>>) target(%dma_start3A_127 : memref<128x256xf32, #tpu.memory_space<hbm>>) target_semaphore(%arg6 : memref<!tpu.dma_semaphore, #tpu.memory_space<semaphore_mem>>)
    %mul3A_128 = arith.constant 8 : i32
    %mul3A_129 = arith.muli %select_n3A_30, %mul3A_128 : i32
    %add3A_130 = arith.constant 7 : i32
    %add3A_131 = arith.addi %mul3A_129, %add3A_130 : i32
    %add3A_132 = arith.constant 128 : i32
    %add3A_133 = arith.addi %add3A_132, %select_n3A_9 : i32
    %dma_start3A_134 = arith.constant 0 : i32
    %dma_start3A_135 = arith.constant 0 : i32
    %dma_start3A_136 = tpu.memref_slice %arg3[%add3A_131, %add3A_133, %dma_start3A_134, %dma_start3A_135] : memref<16x144x128x256xf32, #tpu.memory_space<hbm>> -> memref<1x1x128x256xf32, #tpu.memory_space<hbm>>
    %dma_start3A_137 = tpu.memref_squeeze %dma_start3A_136 : memref<1x1x128x256xf32, #tpu.memory_space<hbm>> -> memref<128x256xf32, #tpu.memory_space<hbm>>
    %dma_start3A_138 = arith.constant 0 : i32
    %dma_start3A_139 = arith.constant 0 : i32
    %dma_start3A_140 = tpu.memref_slice %arg3[%add3A_131, %add3A_133, %dma_start3A_138, %dma_start3A_139] : memref<16x144x128x256xf32, #tpu.memory_space<hbm>> -> memref<1x1x128x256xf32, #tpu.memory_space<hbm>>
    %dma_start3A_141 = tpu.memref_squeeze %dma_start3A_140 : memref<1x1x128x256xf32, #tpu.memory_space<hbm>> -> memref<128x256xf32, #tpu.memory_space<hbm>>
    tpu.enqueue_dma source(%arg5 : memref<128x256xf32, #tpu.memory_space<vmem>>) target(%dma_start3A_141 : memref<128x256xf32, #tpu.memory_space<hbm>>) target_semaphore(%arg6 : memref<!tpu.dma_semaphore, #tpu.memory_space<semaphore_mem>>)
    %dma_wait3A = arith.constant 0 : i32
    %dma_wait3A_142 = arith.constant 0 : i32
    %dma_wait3A_143 = tpu.memref_slice %arg3[%add3A_34, %add3A_36, %dma_wait3A, %dma_wait3A_142] : memref<16x144x128x256xf32, #tpu.memory_space<hbm>> -> memref<1x1x128x256xf32, #tpu.memory_space<hbm>>
    %dma_wait3A_144 = tpu.memref_squeeze %dma_wait3A_143 : memref<1x1x128x256xf32, #tpu.memory_space<hbm>> -> memref<128x256xf32, #tpu.memory_space<hbm>>
    %dma_wait3A_145 = arith.constant 0 : i32
    %dma_wait3A_146 = arith.constant 0 : i32
    %dma_wait3A_147 = tpu.memref_slice %arg3[%add3A_34, %add3A_36, %dma_wait3A_145, %dma_wait3A_146] : memref<16x144x128x256xf32, #tpu.memory_space<hbm>> -> memref<1x1x128x256xf32, #tpu.memory_space<hbm>>
    %dma_wait3A_148 = tpu.memref_squeeze %dma_wait3A_147 : memref<1x1x128x256xf32, #tpu.memory_space<hbm>> -> memref<128x256xf32, #tpu.memory_space<hbm>>
    tpu.wait_dma2 semaphore(%arg6 : memref<!tpu.dma_semaphore, #tpu.memory_space<semaphore_mem>>) src(%arg5 : memref<128x256xf32, #tpu.memory_space<vmem>>) dst(%dma_wait3A_148 : memref<128x256xf32, #tpu.memory_space<hbm>>)
    %dma_wait3A_149 = arith.constant 0 : i32
    %dma_wait3A_150 = arith.constant 0 : i32
    %dma_wait3A_151 = tpu.memref_slice %arg3[%add3A_47, %add3A_49, %dma_wait3A_149, %dma_wait3A_150] : memref<16x144x128x256xf32, #tpu.memory_space<hbm>> -> memref<1x1x128x256xf32, #tpu.memory_space<hbm>>
    %dma_wait3A_152 = tpu.memref_squeeze %dma_wait3A_151 : memref<1x1x128x256xf32, #tpu.memory_space<hbm>> -> memref<128x256xf32, #tpu.memory_space<hbm>>
    %dma_wait3A_153 = arith.constant 0 : i32
    %dma_wait3A_154 = arith.constant 0 : i32
    %dma_wait3A_155 = tpu.memref_slice %arg3[%add3A_47, %add3A_49, %dma_wait3A_153, %dma_wait3A_154] : memref<16x144x128x256xf32, #tpu.memory_space<hbm>> -> memref<1x1x128x256xf32, #tpu.memory_space<hbm>>
    %dma_wait3A_156 = tpu.memref_squeeze %dma_wait3A_155 : memref<1x1x128x256xf32, #tpu.memory_space<hbm>> -> memref<128x256xf32, #tpu.memory_space<hbm>>
    tpu.wait_dma2 semaphore(%arg6 : memref<!tpu.dma_semaphore, #tpu.memory_space<semaphore_mem>>) src(%arg5 : memref<128x256xf32, #tpu.memory_space<vmem>>) dst(%dma_wait3A_156 : memref<128x256xf32, #tpu.memory_space<hbm>>)
    %dma_wait3A_157 = arith.constant 0 : i32
    %dma_wait3A_158 = arith.constant 0 : i32
    %dma_wait3A_159 = tpu.memref_slice %arg3[%add3A_61, %add3A_63, %dma_wait3A_157, %dma_wait3A_158] : memref<16x144x128x256xf32, #tpu.memory_space<hbm>> -> memref<1x1x128x256xf32, #tpu.memory_space<hbm>>
    %dma_wait3A_160 = tpu.memref_squeeze %dma_wait3A_159 : memref<1x1x128x256xf32, #tpu.memory_space<hbm>> -> memref<128x256xf32, #tpu.memory_space<hbm>>
    %dma_wait3A_161 = arith.constant 0 : i32
    %dma_wait3A_162 = arith.constant 0 : i32
    %dma_wait3A_163 = tpu.memref_slice %arg3[%add3A_61, %add3A_63, %dma_wait3A_161, %dma_wait3A_162] : memref<16x144x128x256xf32, #tpu.memory_space<hbm>> -> memref<1x1x128x256xf32, #tpu.memory_space<hbm>>
    %dma_wait3A_164 = tpu.memref_squeeze %dma_wait3A_163 : memref<1x1x128x256xf32, #tpu.memory_space<hbm>> -> memref<128x256xf32, #tpu.memory_space<hbm>>
    tpu.wait_dma2 semaphore(%arg6 : memref<!tpu.dma_semaphore, #tpu.memory_space<semaphore_mem>>) src(%arg5 : memref<128x256xf32, #tpu.memory_space<vmem>>) dst(%dma_wait3A_164 : memref<128x256xf32, #tpu.memory_space<hbm>>)
    %dma_wait3A_165 = arith.constant 0 : i32
    %dma_wait3A_166 = arith.constant 0 : i32
    %dma_wait3A_167 = tpu.memref_slice %arg3[%add3A_75, %add3A_77, %dma_wait3A_165, %dma_wait3A_166] : memref<16x144x128x256xf32, #tpu.memory_space<hbm>> -> memref<1x1x128x256xf32, #tpu.memory_space<hbm>>
    %dma_wait3A_168 = tpu.memref_squeeze %dma_wait3A_167 : memref<1x1x128x256xf32, #tpu.memory_space<hbm>> -> memref<128x256xf32, #tpu.memory_space<hbm>>
    %dma_wait3A_169 = arith.constant 0 : i32
    %dma_wait3A_170 = arith.constant 0 : i32
    %dma_wait3A_171 = tpu.memref_slice %arg3[%add3A_75, %add3A_77, %dma_wait3A_169, %dma_wait3A_170] : memref<16x144x128x256xf32, #tpu.memory_space<hbm>> -> memref<1x1x128x256xf32, #tpu.memory_space<hbm>>
    %dma_wait3A_172 = tpu.memref_squeeze %dma_wait3A_171 : memref<1x1x128x256xf32, #tpu.memory_space<hbm>> -> memref<128x256xf32, #tpu.memory_space<hbm>>
    tpu.wait_dma2 semaphore(%arg6 : memref<!tpu.dma_semaphore, #tpu.memory_space<semaphore_mem>>) src(%arg5 : memref<128x256xf32, #tpu.memory_space<vmem>>) dst(%dma_wait3A_172 : memref<128x256xf32, #tpu.memory_space<hbm>>)
    %dma_wait3A_173 = arith.constant 0 : i32
    %dma_wait3A_174 = arith.constant 0 : i32
    %dma_wait3A_175 = tpu.memref_slice %arg3[%add3A_89, %add3A_91, %dma_wait3A_173, %dma_wait3A_174] : memref<16x144x128x256xf32, #tpu.memory_space<hbm>> -> memref<1x1x128x256xf32, #tpu.memory_space<hbm>>
    %dma_wait3A_176 = tpu.memref_squeeze %dma_wait3A_175 : memref<1x1x128x256xf32, #tpu.memory_space<hbm>> -> memref<128x256xf32, #tpu.memory_space<hbm>>
    %dma_wait3A_177 = arith.constant 0 : i32
    %dma_wait3A_178 = arith.constant 0 : i32
    %dma_wait3A_179 = tpu.memref_slice %arg3[%add3A_89, %add3A_91, %dma_wait3A_177, %dma_wait3A_178] : memref<16x144x128x256xf32, #tpu.memory_space<hbm>> -> memref<1x1x128x256xf32, #tpu.memory_space<hbm>>
    %dma_wait3A_180 = tpu.memref_squeeze %dma_wait3A_179 : memref<1x1x128x256xf32, #tpu.memory_space<hbm>> -> memref<128x256xf32, #tpu.memory_space<hbm>>
    tpu.wait_dma2 semaphore(%arg6 : memref<!tpu.dma_semaphore, #tpu.memory_space<semaphore_mem>>) src(%arg5 : memref<128x256xf32, #tpu.memory_space<vmem>>) dst(%dma_wait3A_180 : memref<128x256xf32, #tpu.memory_space<hbm>>)
    %dma_wait3A_181 = arith.constant 0 : i32
    %dma_wait3A_182 = arith.constant 0 : i32
    %dma_wait3A_183 = tpu.memref_slice %arg3[%add3A_103, %add3A_105, %dma_wait3A_181, %dma_wait3A_182] : memref<16x144x128x256xf32, #tpu.memory_space<hbm>> -> memref<1x1x128x256xf32, #tpu.memory_space<hbm>>
    %dma_wait3A_184 = tpu.memref_squeeze %dma_wait3A_183 : memref<1x1x128x256xf32, #tpu.memory_space<hbm>> -> memref<128x256xf32, #tpu.memory_space<hbm>>
    %dma_wait3A_185 = arith.constant 0 : i32
    %dma_wait3A_186 = arith.constant 0 : i32
    %dma_wait3A_187 = tpu.memref_slice %arg3[%add3A_103, %add3A_105, %dma_wait3A_185, %dma_wait3A_186] : memref<16x144x128x256xf32, #tpu.memory_space<hbm>> -> memref<1x1x128x256xf32, #tpu.memory_space<hbm>>
    %dma_wait3A_188 = tpu.memref_squeeze %dma_wait3A_187 : memref<1x1x128x256xf32, #tpu.memory_space<hbm>> -> memref<128x256xf32, #tpu.memory_space<hbm>>
    tpu.wait_dma2 semaphore(%arg6 : memref<!tpu.dma_semaphore, #tpu.memory_space<semaphore_mem>>) src(%arg5 : memref<128x256xf32, #tpu.memory_space<vmem>>) dst(%dma_wait3A_188 : memref<128x256xf32, #tpu.memory_space<hbm>>)
    %dma_wait3A_189 = arith.constant 0 : i32
    %dma_wait3A_190 = arith.constant 0 : i32
    %dma_wait3A_191 = tpu.memref_slice %arg3[%add3A_117, %add3A_119, %dma_wait3A_189, %dma_wait3A_190] : memref<16x144x128x256xf32, #tpu.memory_space<hbm>> -> memref<1x1x128x256xf32, #tpu.memory_space<hbm>>
    %dma_wait3A_192 = tpu.memref_squeeze %dma_wait3A_191 : memref<1x1x128x256xf32, #tpu.memory_space<hbm>> -> memref<128x256xf32, #tpu.memory_space<hbm>>
    %dma_wait3A_193 = arith.constant 0 : i32
    %dma_wait3A_194 = arith.constant 0 : i32
    %dma_wait3A_195 = tpu.memref_slice %arg3[%add3A_117, %add3A_119, %dma_wait3A_193, %dma_wait3A_194] : memref<16x144x128x256xf32, #tpu.memory_space<hbm>> -> memref<1x1x128x256xf32, #tpu.memory_space<hbm>>
    %dma_wait3A_196 = tpu.memref_squeeze %dma_wait3A_195 : memref<1x1x128x256xf32, #tpu.memory_space<hbm>> -> memref<128x256xf32, #tpu.memory_space<hbm>>
    tpu.wait_dma2 semaphore(%arg6 : memref<!tpu.dma_semaphore, #tpu.memory_space<semaphore_mem>>) src(%arg5 : memref<128x256xf32, #tpu.memory_space<vmem>>) dst(%dma_wait3A_196 : memref<128x256xf32, #tpu.memory_space<hbm>>)
    %dma_wait3A_197 = arith.constant 0 : i32
    %dma_wait3A_198 = arith.constant 0 : i32
    %dma_wait3A_199 = tpu.memref_slice %arg3[%add3A_131, %add3A_133, %dma_wait3A_197, %dma_wait3A_198] : memref<16x144x128x256xf32, #tpu.memory_space<hbm>> -> memref<1x1x128x256xf32, #tpu.memory_space<hbm>>
    %dma_wait3A_200 = tpu.memref_squeeze %dma_wait3A_199 : memref<1x1x128x256xf32, #tpu.memory_space<hbm>> -> memref<128x256xf32, #tpu.memory_space<hbm>>
    %dma_wait3A_201 = arith.constant 0 : i32
    %dma_wait3A_202 = arith.constant 0 : i32
    %dma_wait3A_203 = tpu.memref_slice %arg3[%add3A_131, %add3A_133, %dma_wait3A_201, %dma_wait3A_202] : memref<16x144x128x256xf32, #tpu.memory_space<hbm>> -> memref<1x1x128x256xf32, #tpu.memory_space<hbm>>
    %dma_wait3A_204 = tpu.memref_squeeze %dma_wait3A_203 : memref<1x1x128x256xf32, #tpu.memory_space<hbm>> -> memref<128x256xf32, #tpu.memory_space<hbm>>
    tpu.wait_dma2 semaphore(%arg6 : memref<!tpu.dma_semaphore, #tpu.memory_space<semaphore_mem>>) src(%arg5 : memref<128x256xf32, #tpu.memory_space<vmem>>) dst(%dma_wait3A_204 : memref<128x256xf32, #tpu.memory_space<hbm>>)
    return
  }
}

module attributes {stable_mosaic.version = 14 : i64} {
  func.func @_tc_body(%arg0: memref<128x16xf32, #tpu.memory_space<vmem>>, %arg1: memref<16x144x128x256xf32, #tpu.memory_space<any>>, %arg2: memref<16x128x256xf32, #tpu.memory_space<any>>, %arg3: memref<128x128x256xf32, #tpu.memory_space<vmem>>, %arg4: memref<16x128x256xf32, #tpu.memory_space<vmem>>, %arg5: memref<16x!tpu.dma_semaphore, #tpu.memory_space<semaphore_mem>>, %arg6: memref<!tpu.dma_semaphore, #tpu.memory_space<semaphore_mem>>) attributes {dimension_semantics = [], scalar_prefetch = 0 : i64, scratch_operands = 4 : i64, tpu.core_type = #tpu.core_type<tc>} {
    %iota3A = tpu.iota {dimensions = array<i32: 0>} : vector<128x256xi32>
    %iota3A_0 = tpu.iota {dimensions = array<i32: 1>} : vector<128x256xi32>
    %jit3A = arith.constant 2 : i32
    %div3A = vector.broadcast %jit3A : i32 to vector<128x256xi32>
    %div3A_1 = arith.divsi %iota3A, %div3A : vector<128x256xi32>
    %sign3A = arith.constant 0 : i32
    %sign3A_2 = vector.broadcast %sign3A : i32 to vector<128x256xi32>
    %sign3A_3 = arith.cmpi sgt, %iota3A, %sign3A_2 : vector<128x256xi32>
    %sign3A_4 = arith.extui %sign3A_3 : vector<128x256xi1> to vector<128x256xi32>
    %sign3A_5 = arith.constant 0 : i32
    %sign3A_6 = vector.broadcast %sign3A_5 : i32 to vector<128x256xi32>
    %sign3A_7 = arith.cmpi slt, %iota3A, %sign3A_6 : vector<128x256xi32>
    %sign3A_8 = arith.extui %sign3A_7 : vector<128x256xi1> to vector<128x256xi32>
    %sign3A_9 = arith.subi %sign3A_4, %sign3A_8 : vector<128x256xi32>
    %sign3A_10 = arith.constant 0 : i32
    %sign3A_11 = arith.cmpi sgt, %jit3A, %sign3A_10 : i32
    %sign3A_12 = arith.extui %sign3A_11 : i1 to i32
    %sign3A_13 = arith.constant 0 : i32
    %sign3A_14 = arith.cmpi slt, %jit3A, %sign3A_13 : i32
    %sign3A_15 = arith.extui %sign3A_14 : i1 to i32
    %sign3A_16 = arith.subi %sign3A_12, %sign3A_15 : i32
    %ne3A = vector.broadcast %sign3A_16 : i32 to vector<128x256xi32>
    %ne3A_17 = arith.cmpi ne, %sign3A_9, %ne3A : vector<128x256xi32>
    %rem3A = vector.broadcast %jit3A : i32 to vector<128x256xi32>
    %rem3A_18 = arith.remsi %iota3A, %rem3A : vector<128x256xi32>
    %ne3A_19 = arith.constant 0 : i32
    %ne3A_20 = vector.broadcast %ne3A_19 : i32 to vector<128x256xi32>
    %ne3A_21 = arith.cmpi ne, %rem3A_18, %ne3A_20 : vector<128x256xi32>
    %and3A = arith.andi %ne3A_17, %ne3A_21 : vector<128x256xi1>
    %sub3A = arith.constant 1 : i32
    %sub3A_22 = vector.broadcast %sub3A : i32 to vector<128x256xi32>
    %sub3A_23 = arith.subi %div3A_1, %sub3A_22 : vector<128x256xi32>
    %select_n3A = arith.select %and3A, %sub3A_23, %div3A_1 : vector<128x256xi1>, vector<128x256xi32>
    %mul3A = arith.constant 2 : i32
    %mul3A_24 = vector.broadcast %mul3A : i32 to vector<128x256xi32>
    %mul3A_25 = arith.muli %select_n3A, %mul3A_24 : vector<128x256xi32>
    %sub3A_26 = arith.subi %iota3A, %mul3A_25 : vector<128x256xi32>
    %sub3A_27 = arith.subi %iota3A, %sub3A_26 : vector<128x256xi32>
    %convert_element_type3A = arith.sitofp %sub3A_27 : vector<128x256xi32> to vector<128x256xf32>
    %mul3A_28 = arith.constant -0.0719557852 : f32
    %mul3A_29 = vector.broadcast %mul3A_28 : f32 to vector<128x256xf32>
    %mul3A_30 = arith.mulf %convert_element_type3A, %mul3A_29 : vector<128x256xf32>
    %exp3A = math.exp %mul3A_30 : vector<128x256xf32>
    %convert_element_type3A_31 = arith.sitofp %iota3A_0 : vector<128x256xi32> to vector<128x256xf32>
    %mul3A_32 = arith.mulf %convert_element_type3A_31, %exp3A : vector<128x256xf32>
    %eq3A = arith.constant 0 : i32
    %eq3A_33 = vector.broadcast %eq3A : i32 to vector<128x256xi32>
    %eq3A_34 = arith.cmpi eq, %sub3A_26, %eq3A_33 : vector<128x256xi32>
    %sin3A = math.sin %mul3A_32 : vector<128x256xf32>
    %cos3A = math.cos %mul3A_32 : vector<128x256xf32>
    %select_n3A_35 = arith.select %eq3A_34, %sin3A, %cos3A : vector<128x256xi1>, vector<128x256xf32>
    %get3A = arith.constant 0 : index
    %get3A_36 = arith.constant 0 : index
    %get3A_37 = vector.load %arg0[%get3A, %get3A_36] : memref<128x16xf32, #tpu.memory_space<vmem>>, vector<128x16xf32>
    %transpose3A = tpu.transpose %get3A_37, [1, 0] : vector<128x16xf32> -> vector<16x128xf32>
    %broadcast_in_dim3A = vector.shape_cast %transpose3A : vector<16x128xf32> to vector<16x128x1xf32>
    %broadcast_in_dim3A_38 = vector.shape_cast %broadcast_in_dim3A : vector<16x128x1xf32> to vector<16x128x1xf32>
    %broadcast_in_dim3A_39 = vector.broadcast %broadcast_in_dim3A_38 : vector<16x128x1xf32> to vector<16x128x256xf32>
    %swap3A = arith.constant 0 : index
    %swap3A_40 = arith.constant 0 : index
    %swap3A_41 = arith.constant 0 : index
    %swap3A_42 = vector.load %arg4[%swap3A, %swap3A_40, %swap3A_41] : memref<16x128x256xf32, #tpu.memory_space<vmem>>, vector<16x128x256xf32>
    tpu.vector_store %arg4[%swap3A, %swap3A_40, %swap3A_41], %broadcast_in_dim3A_39 {strides = array<i32>} : memref<16x128x256xf32, #tpu.memory_space<vmem>>, vector<16x128x256xf32>,
    tpu.enqueue_dma source(%arg4 : memref<16x128x256xf32, #tpu.memory_space<vmem>>) target(%arg2 : memref<16x128x256xf32, #tpu.memory_space<any>>) target_semaphore(%arg6 : memref<!tpu.dma_semaphore, #tpu.memory_space<semaphore_mem>>)
    %broadcast_in_dim3A_43 = vector.shape_cast %select_n3A_35 : vector<128x256xf32> to vector<128x1x256xf32>
    %broadcast_in_dim3A_44 = vector.shape_cast %broadcast_in_dim3A_43 : vector<128x1x256xf32> to vector<128x1x256xf32>
    %broadcast_in_dim3A_45 = vector.broadcast %broadcast_in_dim3A_44 : vector<128x1x256xf32> to vector<128x128x256xf32>
    %swap3A_46 = arith.constant 0 : index
    %swap3A_47 = arith.constant 0 : index
    %swap3A_48 = arith.constant 0 : index
    %swap3A_49 = vector.load %arg3[%swap3A_46, %swap3A_47, %swap3A_48] : memref<128x128x256xf32, #tpu.memory_space<vmem>>, vector<128x128x256xf32>
    tpu.vector_store %arg3[%swap3A_46, %swap3A_47, %swap3A_48], %broadcast_in_dim3A_45 {strides = array<i32>} : memref<128x128x256xf32, #tpu.memory_space<vmem>>, vector<128x128x256xf32>,
    %dma_start3A = arith.constant 0 : i32
    %dma_start3A_50 = arith.constant 0 : i32
    %dma_start3A_51 = tpu.memref_slice %arg5[%dma_start3A_50] : memref<16x!tpu.dma_semaphore, #tpu.memory_space<semaphore_mem>> -> memref<1x!tpu.dma_semaphore, #tpu.memory_space<semaphore_mem>>
    %dma_start3A_52 = tpu.memref_squeeze %dma_start3A_51 : memref<1x!tpu.dma_semaphore, #tpu.memory_space<semaphore_mem>> -> memref<!tpu.dma_semaphore, #tpu.memory_space<semaphore_mem>>
    %dma_start3A_53 = arith.constant 0 : i32
    %dma_start3A_54 = arith.constant 0 : i32
    %dma_start3A_55 = arith.constant 0 : i32
    %dma_start3A_56 = tpu.memref_slice %arg1[%dma_start3A, %dma_start3A_53, %dma_start3A_54, %dma_start3A_55] : memref<16x144x128x256xf32, #tpu.memory_space<any>> -> memref<1x128x128x256xf32, #tpu.memory_space<any>>
    %dma_start3A_57 = tpu.memref_squeeze %dma_start3A_56 : memref<1x128x128x256xf32, #tpu.memory_space<any>> -> memref<128x128x256xf32, #tpu.memory_space<any>>
    tpu.enqueue_dma source(%arg3 : memref<128x128x256xf32, #tpu.memory_space<vmem>>) target(%dma_start3A_57 : memref<128x128x256xf32, #tpu.memory_space<any>>) target_semaphore(%dma_start3A_52 : memref<!tpu.dma_semaphore, #tpu.memory_space<semaphore_mem>>)
    %dma_start3A_58 = arith.constant 1 : i32
    %dma_start3A_59 = arith.constant 1 : i32
    %dma_start3A_60 = tpu.memref_slice %arg5[%dma_start3A_59] : memref<16x!tpu.dma_semaphore, #tpu.memory_space<semaphore_mem>> -> memref<1x!tpu.dma_semaphore, #tpu.memory_space<semaphore_mem>>
    %dma_start3A_61 = tpu.memref_squeeze %dma_start3A_60 : memref<1x!tpu.dma_semaphore, #tpu.memory_space<semaphore_mem>> -> memref<!tpu.dma_semaphore, #tpu.memory_space<semaphore_mem>>
    %dma_start3A_62 = arith.constant 0 : i32
    %dma_start3A_63 = arith.constant 0 : i32
    %dma_start3A_64 = arith.constant 0 : i32
    %dma_start3A_65 = tpu.memref_slice %arg1[%dma_start3A_58, %dma_start3A_62, %dma_start3A_63, %dma_start3A_64] : memref<16x144x128x256xf32, #tpu.memory_space<any>> -> memref<1x128x128x256xf32, #tpu.memory_space<any>>
    %dma_start3A_66 = tpu.memref_squeeze %dma_start3A_65 : memref<1x128x128x256xf32, #tpu.memory_space<any>> -> memref<128x128x256xf32, #tpu.memory_space<any>>
    tpu.enqueue_dma source(%arg3 : memref<128x128x256xf32, #tpu.memory_space<vmem>>) target(%dma_start3A_66 : memref<128x128x256xf32, #tpu.memory_space<any>>) target_semaphore(%dma_start3A_61 : memref<!tpu.dma_semaphore, #tpu.memory_space<semaphore_mem>>)
    %dma_start3A_67 = arith.constant 2 : i32
    %dma_start3A_68 = arith.constant 2 : i32
    %dma_start3A_69 = tpu.memref_slice %arg5[%dma_start3A_68] : memref<16x!tpu.dma_semaphore, #tpu.memory_space<semaphore_mem>> -> memref<1x!tpu.dma_semaphore, #tpu.memory_space<semaphore_mem>>
    %dma_start3A_70 = tpu.memref_squeeze %dma_start3A_69 : memref<1x!tpu.dma_semaphore, #tpu.memory_space<semaphore_mem>> -> memref<!tpu.dma_semaphore, #tpu.memory_space<semaphore_mem>>
    %dma_start3A_71 = arith.constant 0 : i32
    %dma_start3A_72 = arith.constant 0 : i32
    %dma_start3A_73 = arith.constant 0 : i32
    %dma_start3A_74 = tpu.memref_slice %arg1[%dma_start3A_67, %dma_start3A_71, %dma_start3A_72, %dma_start3A_73] : memref<16x144x128x256xf32, #tpu.memory_space<any>> -> memref<1x128x128x256xf32, #tpu.memory_space<any>>
    %dma_start3A_75 = tpu.memref_squeeze %dma_start3A_74 : memref<1x128x128x256xf32, #tpu.memory_space<any>> -> memref<128x128x256xf32, #tpu.memory_space<any>>
    tpu.enqueue_dma source(%arg3 : memref<128x128x256xf32, #tpu.memory_space<vmem>>) target(%dma_start3A_75 : memref<128x128x256xf32, #tpu.memory_space<any>>) target_semaphore(%dma_start3A_70 : memref<!tpu.dma_semaphore, #tpu.memory_space<semaphore_mem>>)
    %dma_start3A_76 = arith.constant 3 : i32
    %dma_start3A_77 = arith.constant 3 : i32
    %dma_start3A_78 = tpu.memref_slice %arg5[%dma_start3A_77] : memref<16x!tpu.dma_semaphore, #tpu.memory_space<semaphore_mem>> -> memref<1x!tpu.dma_semaphore, #tpu.memory_space<semaphore_mem>>
    %dma_start3A_79 = tpu.memref_squeeze %dma_start3A_78 : memref<1x!tpu.dma_semaphore, #tpu.memory_space<semaphore_mem>> -> memref<!tpu.dma_semaphore, #tpu.memory_space<semaphore_mem>>
    %dma_start3A_80 = arith.constant 0 : i32
    %dma_start3A_81 = arith.constant 0 : i32
    %dma_start3A_82 = arith.constant 0 : i32
    %dma_start3A_83 = tpu.memref_slice %arg1[%dma_start3A_76, %dma_start3A_80, %dma_start3A_81, %dma_start3A_82] : memref<16x144x128x256xf32, #tpu.memory_space<any>> -> memref<1x128x128x256xf32, #tpu.memory_space<any>>
    %dma_start3A_84 = tpu.memref_squeeze %dma_start3A_83 : memref<1x128x128x256xf32, #tpu.memory_space<any>> -> memref<128x128x256xf32, #tpu.memory_space<any>>
    tpu.enqueue_dma source(%arg3 : memref<128x128x256xf32, #tpu.memory_space<vmem>>) target(%dma_start3A_84 : memref<128x128x256xf32, #tpu.memory_space<any>>) target_semaphore(%dma_start3A_79 : memref<!tpu.dma_semaphore, #tpu.memory_space<semaphore_mem>>)
    %dma_start3A_85 = arith.constant 4 : i32
    %dma_start3A_86 = arith.constant 4 : i32
    %dma_start3A_87 = tpu.memref_slice %arg5[%dma_start3A_86] : memref<16x!tpu.dma_semaphore, #tpu.memory_space<semaphore_mem>> -> memref<1x!tpu.dma_semaphore, #tpu.memory_space<semaphore_mem>>
    %dma_start3A_88 = tpu.memref_squeeze %dma_start3A_87 : memref<1x!tpu.dma_semaphore, #tpu.memory_space<semaphore_mem>> -> memref<!tpu.dma_semaphore, #tpu.memory_space<semaphore_mem>>
    %dma_start3A_89 = arith.constant 0 : i32
    %dma_start3A_90 = arith.constant 0 : i32
    %dma_start3A_91 = arith.constant 0 : i32
    %dma_start3A_92 = tpu.memref_slice %arg1[%dma_start3A_85, %dma_start3A_89, %dma_start3A_90, %dma_start3A_91] : memref<16x144x128x256xf32, #tpu.memory_space<any>> -> memref<1x128x128x256xf32, #tpu.memory_space<any>>
    %dma_start3A_93 = tpu.memref_squeeze %dma_start3A_92 : memref<1x128x128x256xf32, #tpu.memory_space<any>> -> memref<128x128x256xf32, #tpu.memory_space<any>>
    tpu.enqueue_dma source(%arg3 : memref<128x128x256xf32, #tpu.memory_space<vmem>>) target(%dma_start3A_93 : memref<128x128x256xf32, #tpu.memory_space<any>>) target_semaphore(%dma_start3A_88 : memref<!tpu.dma_semaphore, #tpu.memory_space<semaphore_mem>>)
    %dma_start3A_94 = arith.constant 5 : i32
    %dma_start3A_95 = arith.constant 5 : i32
    %dma_start3A_96 = tpu.memref_slice %arg5[%dma_start3A_95] : memref<16x!tpu.dma_semaphore, #tpu.memory_space<semaphore_mem>> -> memref<1x!tpu.dma_semaphore, #tpu.memory_space<semaphore_mem>>
    %dma_start3A_97 = tpu.memref_squeeze %dma_start3A_96 : memref<1x!tpu.dma_semaphore, #tpu.memory_space<semaphore_mem>> -> memref<!tpu.dma_semaphore, #tpu.memory_space<semaphore_mem>>
    %dma_start3A_98 = arith.constant 0 : i32
    %dma_start3A_99 = arith.constant 0 : i32
    %dma_start3A_100 = arith.constant 0 : i32
    %dma_start3A_101 = tpu.memref_slice %arg1[%dma_start3A_94, %dma_start3A_98, %dma_start3A_99, %dma_start3A_100] : memref<16x144x128x256xf32, #tpu.memory_space<any>> -> memref<1x128x128x256xf32, #tpu.memory_space<any>>
    %dma_start3A_102 = tpu.memref_squeeze %dma_start3A_101 : memref<1x128x128x256xf32, #tpu.memory_space<any>> -> memref<128x128x256xf32, #tpu.memory_space<any>>
    tpu.enqueue_dma source(%arg3 : memref<128x128x256xf32, #tpu.memory_space<vmem>>) target(%dma_start3A_102 : memref<128x128x256xf32, #tpu.memory_space<any>>) target_semaphore(%dma_start3A_97 : memref<!tpu.dma_semaphore, #tpu.memory_space<semaphore_mem>>)
    %dma_start3A_103 = arith.constant 6 : i32
    %dma_start3A_104 = arith.constant 6 : i32
    %dma_start3A_105 = tpu.memref_slice %arg5[%dma_start3A_104] : memref<16x!tpu.dma_semaphore, #tpu.memory_space<semaphore_mem>> -> memref<1x!tpu.dma_semaphore, #tpu.memory_space<semaphore_mem>>
    %dma_start3A_106 = tpu.memref_squeeze %dma_start3A_105 : memref<1x!tpu.dma_semaphore, #tpu.memory_space<semaphore_mem>> -> memref<!tpu.dma_semaphore, #tpu.memory_space<semaphore_mem>>
    %dma_start3A_107 = arith.constant 0 : i32
    %dma_start3A_108 = arith.constant 0 : i32
    %dma_start3A_109 = arith.constant 0 : i32
    %dma_start3A_110 = tpu.memref_slice %arg1[%dma_start3A_103, %dma_start3A_107, %dma_start3A_108, %dma_start3A_109] : memref<16x144x128x256xf32, #tpu.memory_space<any>> -> memref<1x128x128x256xf32, #tpu.memory_space<any>>
    %dma_start3A_111 = tpu.memref_squeeze %dma_start3A_110 : memref<1x128x128x256xf32, #tpu.memory_space<any>> -> memref<128x128x256xf32, #tpu.memory_space<any>>
    tpu.enqueue_dma source(%arg3 : memref<128x128x256xf32, #tpu.memory_space<vmem>>) target(%dma_start3A_111 : memref<128x128x256xf32, #tpu.memory_space<any>>) target_semaphore(%dma_start3A_106 : memref<!tpu.dma_semaphore, #tpu.memory_space<semaphore_mem>>)
    %dma_start3A_112 = arith.constant 7 : i32
    %dma_start3A_113 = arith.constant 7 : i32
    %dma_start3A_114 = tpu.memref_slice %arg5[%dma_start3A_113] : memref<16x!tpu.dma_semaphore, #tpu.memory_space<semaphore_mem>> -> memref<1x!tpu.dma_semaphore, #tpu.memory_space<semaphore_mem>>
    %dma_start3A_115 = tpu.memref_squeeze %dma_start3A_114 : memref<1x!tpu.dma_semaphore, #tpu.memory_space<semaphore_mem>> -> memref<!tpu.dma_semaphore, #tpu.memory_space<semaphore_mem>>
    %dma_start3A_116 = arith.constant 0 : i32
    %dma_start3A_117 = arith.constant 0 : i32
    %dma_start3A_118 = arith.constant 0 : i32
    %dma_start3A_119 = tpu.memref_slice %arg1[%dma_start3A_112, %dma_start3A_116, %dma_start3A_117, %dma_start3A_118] : memref<16x144x128x256xf32, #tpu.memory_space<any>> -> memref<1x128x128x256xf32, #tpu.memory_space<any>>
    %dma_start3A_120 = tpu.memref_squeeze %dma_start3A_119 : memref<1x128x128x256xf32, #tpu.memory_space<any>> -> memref<128x128x256xf32, #tpu.memory_space<any>>
    tpu.enqueue_dma source(%arg3 : memref<128x128x256xf32, #tpu.memory_space<vmem>>) target(%dma_start3A_120 : memref<128x128x256xf32, #tpu.memory_space<any>>) target_semaphore(%dma_start3A_115 : memref<!tpu.dma_semaphore, #tpu.memory_space<semaphore_mem>>)
    %dma_start3A_121 = arith.constant 8 : i32
    %dma_start3A_122 = arith.constant 8 : i32
    %dma_start3A_123 = tpu.memref_slice %arg5[%dma_start3A_122] : memref<16x!tpu.dma_semaphore, #tpu.memory_space<semaphore_mem>> -> memref<1x!tpu.dma_semaphore, #tpu.memory_space<semaphore_mem>>
    %dma_start3A_124 = tpu.memref_squeeze %dma_start3A_123 : memref<1x!tpu.dma_semaphore, #tpu.memory_space<semaphore_mem>> -> memref<!tpu.dma_semaphore, #tpu.memory_space<semaphore_mem>>
    %dma_start3A_125 = arith.constant 0 : i32
    %dma_start3A_126 = arith.constant 0 : i32
    %dma_start3A_127 = arith.constant 0 : i32
    %dma_start3A_128 = tpu.memref_slice %arg1[%dma_start3A_121, %dma_start3A_125, %dma_start3A_126, %dma_start3A_127] : memref<16x144x128x256xf32, #tpu.memory_space<any>> -> memref<1x128x128x256xf32, #tpu.memory_space<any>>
    %dma_start3A_129 = tpu.memref_squeeze %dma_start3A_128 : memref<1x128x128x256xf32, #tpu.memory_space<any>> -> memref<128x128x256xf32, #tpu.memory_space<any>>
    tpu.enqueue_dma source(%arg3 : memref<128x128x256xf32, #tpu.memory_space<vmem>>) target(%dma_start3A_129 : memref<128x128x256xf32, #tpu.memory_space<any>>) target_semaphore(%dma_start3A_124 : memref<!tpu.dma_semaphore, #tpu.memory_space<semaphore_mem>>)
    %dma_start3A_130 = arith.constant 9 : i32
    %dma_start3A_131 = arith.constant 9 : i32
    %dma_start3A_132 = tpu.memref_slice %arg5[%dma_start3A_131] : memref<16x!tpu.dma_semaphore, #tpu.memory_space<semaphore_mem>> -> memref<1x!tpu.dma_semaphore, #tpu.memory_space<semaphore_mem>>
    %dma_start3A_133 = tpu.memref_squeeze %dma_start3A_132 : memref<1x!tpu.dma_semaphore, #tpu.memory_space<semaphore_mem>> -> memref<!tpu.dma_semaphore, #tpu.memory_space<semaphore_mem>>
    %dma_start3A_134 = arith.constant 0 : i32
    %dma_start3A_135 = arith.constant 0 : i32
    %dma_start3A_136 = arith.constant 0 : i32
    %dma_start3A_137 = tpu.memref_slice %arg1[%dma_start3A_130, %dma_start3A_134, %dma_start3A_135, %dma_start3A_136] : memref<16x144x128x256xf32, #tpu.memory_space<any>> -> memref<1x128x128x256xf32, #tpu.memory_space<any>>
    %dma_start3A_138 = tpu.memref_squeeze %dma_start3A_137 : memref<1x128x128x256xf32, #tpu.memory_space<any>> -> memref<128x128x256xf32, #tpu.memory_space<any>>
    tpu.enqueue_dma source(%arg3 : memref<128x128x256xf32, #tpu.memory_space<vmem>>) target(%dma_start3A_138 : memref<128x128x256xf32, #tpu.memory_space<any>>) target_semaphore(%dma_start3A_133 : memref<!tpu.dma_semaphore, #tpu.memory_space<semaphore_mem>>)
    %dma_start3A_139 = arith.constant 10 : i32
    %dma_start3A_140 = arith.constant 10 : i32
    %dma_start3A_141 = tpu.memref_slice %arg5[%dma_start3A_140] : memref<16x!tpu.dma_semaphore, #tpu.memory_space<semaphore_mem>> -> memref<1x!tpu.dma_semaphore, #tpu.memory_space<semaphore_mem>>
    %dma_start3A_142 = tpu.memref_squeeze %dma_start3A_141 : memref<1x!tpu.dma_semaphore, #tpu.memory_space<semaphore_mem>> -> memref<!tpu.dma_semaphore, #tpu.memory_space<semaphore_mem>>
    %dma_start3A_143 = arith.constant 0 : i32
    %dma_start3A_144 = arith.constant 0 : i32
    %dma_start3A_145 = arith.constant 0 : i32
    %dma_start3A_146 = tpu.memref_slice %arg1[%dma_start3A_139, %dma_start3A_143, %dma_start3A_144, %dma_start3A_145] : memref<16x144x128x256xf32, #tpu.memory_space<any>> -> memref<1x128x128x256xf32, #tpu.memory_space<any>>
    %dma_start3A_147 = tpu.memref_squeeze %dma_start3A_146 : memref<1x128x128x256xf32, #tpu.memory_space<any>> -> memref<128x128x256xf32, #tpu.memory_space<any>>
    tpu.enqueue_dma source(%arg3 : memref<128x128x256xf32, #tpu.memory_space<vmem>>) target(%dma_start3A_147 : memref<128x128x256xf32, #tpu.memory_space<any>>) target_semaphore(%dma_start3A_142 : memref<!tpu.dma_semaphore, #tpu.memory_space<semaphore_mem>>)
    %dma_start3A_148 = arith.constant 11 : i32
    %dma_start3A_149 = arith.constant 11 : i32
    %dma_start3A_150 = tpu.memref_slice %arg5[%dma_start3A_149] : memref<16x!tpu.dma_semaphore, #tpu.memory_space<semaphore_mem>> -> memref<1x!tpu.dma_semaphore, #tpu.memory_space<semaphore_mem>>
    %dma_start3A_151 = tpu.memref_squeeze %dma_start3A_150 : memref<1x!tpu.dma_semaphore, #tpu.memory_space<semaphore_mem>> -> memref<!tpu.dma_semaphore, #tpu.memory_space<semaphore_mem>>
    %dma_start3A_152 = arith.constant 0 : i32
    %dma_start3A_153 = arith.constant 0 : i32
    %dma_start3A_154 = arith.constant 0 : i32
    %dma_start3A_155 = tpu.memref_slice %arg1[%dma_start3A_148, %dma_start3A_152, %dma_start3A_153, %dma_start3A_154] : memref<16x144x128x256xf32, #tpu.memory_space<any>> -> memref<1x128x128x256xf32, #tpu.memory_space<any>>
    %dma_start3A_156 = tpu.memref_squeeze %dma_start3A_155 : memref<1x128x128x256xf32, #tpu.memory_space<any>> -> memref<128x128x256xf32, #tpu.memory_space<any>>
    tpu.enqueue_dma source(%arg3 : memref<128x128x256xf32, #tpu.memory_space<vmem>>) target(%dma_start3A_156 : memref<128x128x256xf32, #tpu.memory_space<any>>) target_semaphore(%dma_start3A_151 : memref<!tpu.dma_semaphore, #tpu.memory_space<semaphore_mem>>)
    %dma_start3A_157 = arith.constant 12 : i32
    %dma_start3A_158 = arith.constant 12 : i32
    %dma_start3A_159 = tpu.memref_slice %arg5[%dma_start3A_158] : memref<16x!tpu.dma_semaphore, #tpu.memory_space<semaphore_mem>> -> memref<1x!tpu.dma_semaphore, #tpu.memory_space<semaphore_mem>>
    %dma_start3A_160 = tpu.memref_squeeze %dma_start3A_159 : memref<1x!tpu.dma_semaphore, #tpu.memory_space<semaphore_mem>> -> memref<!tpu.dma_semaphore, #tpu.memory_space<semaphore_mem>>
    %dma_start3A_161 = arith.constant 0 : i32
    %dma_start3A_162 = arith.constant 0 : i32
    %dma_start3A_163 = arith.constant 0 : i32
    %dma_start3A_164 = tpu.memref_slice %arg1[%dma_start3A_157, %dma_start3A_161, %dma_start3A_162, %dma_start3A_163] : memref<16x144x128x256xf32, #tpu.memory_space<any>> -> memref<1x128x128x256xf32, #tpu.memory_space<any>>
    %dma_start3A_165 = tpu.memref_squeeze %dma_start3A_164 : memref<1x128x128x256xf32, #tpu.memory_space<any>> -> memref<128x128x256xf32, #tpu.memory_space<any>>
    tpu.enqueue_dma source(%arg3 : memref<128x128x256xf32, #tpu.memory_space<vmem>>) target(%dma_start3A_165 : memref<128x128x256xf32, #tpu.memory_space<any>>) target_semaphore(%dma_start3A_160 : memref<!tpu.dma_semaphore, #tpu.memory_space<semaphore_mem>>)
    %dma_start3A_166 = arith.constant 13 : i32
    %dma_start3A_167 = arith.constant 13 : i32
    %dma_start3A_168 = tpu.memref_slice %arg5[%dma_start3A_167] : memref<16x!tpu.dma_semaphore, #tpu.memory_space<semaphore_mem>> -> memref<1x!tpu.dma_semaphore, #tpu.memory_space<semaphore_mem>>
    %dma_start3A_169 = tpu.memref_squeeze %dma_start3A_168 : memref<1x!tpu.dma_semaphore, #tpu.memory_space<semaphore_mem>> -> memref<!tpu.dma_semaphore, #tpu.memory_space<semaphore_mem>>
    %dma_start3A_170 = arith.constant 0 : i32
    %dma_start3A_171 = arith.constant 0 : i32
    %dma_start3A_172 = arith.constant 0 : i32
    %dma_start3A_173 = tpu.memref_slice %arg1[%dma_start3A_166, %dma_start3A_170, %dma_start3A_171, %dma_start3A_172] : memref<16x144x128x256xf32, #tpu.memory_space<any>> -> memref<1x128x128x256xf32, #tpu.memory_space<any>>
    %dma_start3A_174 = tpu.memref_squeeze %dma_start3A_173 : memref<1x128x128x256xf32, #tpu.memory_space<any>> -> memref<128x128x256xf32, #tpu.memory_space<any>>
    tpu.enqueue_dma source(%arg3 : memref<128x128x256xf32, #tpu.memory_space<vmem>>) target(%dma_start3A_174 : memref<128x128x256xf32, #tpu.memory_space<any>>) target_semaphore(%dma_start3A_169 : memref<!tpu.dma_semaphore, #tpu.memory_space<semaphore_mem>>)
    %dma_start3A_175 = arith.constant 14 : i32
    %dma_start3A_176 = arith.constant 14 : i32
    %dma_start3A_177 = tpu.memref_slice %arg5[%dma_start3A_176] : memref<16x!tpu.dma_semaphore, #tpu.memory_space<semaphore_mem>> -> memref<1x!tpu.dma_semaphore, #tpu.memory_space<semaphore_mem>>
    %dma_start3A_178 = tpu.memref_squeeze %dma_start3A_177 : memref<1x!tpu.dma_semaphore, #tpu.memory_space<semaphore_mem>> -> memref<!tpu.dma_semaphore, #tpu.memory_space<semaphore_mem>>
    %dma_start3A_179 = arith.constant 0 : i32
    %dma_start3A_180 = arith.constant 0 : i32
    %dma_start3A_181 = arith.constant 0 : i32
    %dma_start3A_182 = tpu.memref_slice %arg1[%dma_start3A_175, %dma_start3A_179, %dma_start3A_180, %dma_start3A_181] : memref<16x144x128x256xf32, #tpu.memory_space<any>> -> memref<1x128x128x256xf32, #tpu.memory_space<any>>
    %dma_start3A_183 = tpu.memref_squeeze %dma_start3A_182 : memref<1x128x128x256xf32, #tpu.memory_space<any>> -> memref<128x128x256xf32, #tpu.memory_space<any>>
    tpu.enqueue_dma source(%arg3 : memref<128x128x256xf32, #tpu.memory_space<vmem>>) target(%dma_start3A_183 : memref<128x128x256xf32, #tpu.memory_space<any>>) target_semaphore(%dma_start3A_178 : memref<!tpu.dma_semaphore, #tpu.memory_space<semaphore_mem>>)
    %dma_start3A_184 = arith.constant 15 : i32
    %dma_start3A_185 = arith.constant 15 : i32
    %dma_start3A_186 = tpu.memref_slice %arg5[%dma_start3A_185] : memref<16x!tpu.dma_semaphore, #tpu.memory_space<semaphore_mem>> -> memref<1x!tpu.dma_semaphore, #tpu.memory_space<semaphore_mem>>
    %dma_start3A_187 = tpu.memref_squeeze %dma_start3A_186 : memref<1x!tpu.dma_semaphore, #tpu.memory_space<semaphore_mem>> -> memref<!tpu.dma_semaphore, #tpu.memory_space<semaphore_mem>>
    %dma_start3A_188 = arith.constant 0 : i32
    %dma_start3A_189 = arith.constant 0 : i32
    %dma_start3A_190 = arith.constant 0 : i32
    %dma_start3A_191 = tpu.memref_slice %arg1[%dma_start3A_184, %dma_start3A_188, %dma_start3A_189, %dma_start3A_190] : memref<16x144x128x256xf32, #tpu.memory_space<any>> -> memref<1x128x128x256xf32, #tpu.memory_space<any>>
    %dma_start3A_192 = tpu.memref_squeeze %dma_start3A_191 : memref<1x128x128x256xf32, #tpu.memory_space<any>> -> memref<128x128x256xf32, #tpu.memory_space<any>>
    tpu.enqueue_dma source(%arg3 : memref<128x128x256xf32, #tpu.memory_space<vmem>>) target(%dma_start3A_192 : memref<128x128x256xf32, #tpu.memory_space<any>>) target_semaphore(%dma_start3A_187 : memref<!tpu.dma_semaphore, #tpu.memory_space<semaphore_mem>>)
    tpu.wait_dma2 semaphore(%arg6 : memref<!tpu.dma_semaphore, #tpu.memory_space<semaphore_mem>>) src(%arg4 : memref<16x128x256xf32, #tpu.memory_space<vmem>>) dst(%arg2 : memref<16x128x256xf32, #tpu.memory_space<any>>)
    %dma_wait3A = arith.constant 0 : i32
    %dma_wait3A_193 = arith.constant 0 : i32
    %dma_wait3A_194 = tpu.memref_slice %arg5[%dma_wait3A_193] : memref<16x!tpu.dma_semaphore, #tpu.memory_space<semaphore_mem>> -> memref<1x!tpu.dma_semaphore, #tpu.memory_space<semaphore_mem>>
    %dma_wait3A_195 = tpu.memref_squeeze %dma_wait3A_194 : memref<1x!tpu.dma_semaphore, #tpu.memory_space<semaphore_mem>> -> memref<!tpu.dma_semaphore, #tpu.memory_space<semaphore_mem>>
    %dma_wait3A_196 = arith.constant 0 : i32
    %dma_wait3A_197 = arith.constant 0 : i32
    %dma_wait3A_198 = arith.constant 0 : i32
    %dma_wait3A_199 = tpu.memref_slice %arg1[%dma_wait3A, %dma_wait3A_196, %dma_wait3A_197, %dma_wait3A_198] : memref<16x144x128x256xf32, #tpu.memory_space<any>> -> memref<1x128x128x256xf32, #tpu.memory_space<any>>
    %dma_wait3A_200 = tpu.memref_squeeze %dma_wait3A_199 : memref<1x128x128x256xf32, #tpu.memory_space<any>> -> memref<128x128x256xf32, #tpu.memory_space<any>>
    tpu.wait_dma2 semaphore(%dma_wait3A_195 : memref<!tpu.dma_semaphore, #tpu.memory_space<semaphore_mem>>) src(%arg3 : memref<128x128x256xf32, #tpu.memory_space<vmem>>) dst(%dma_wait3A_200 : memref<128x128x256xf32, #tpu.memory_space<any>>)
    %dma_wait3A_201 = arith.constant 1 : i32
    %dma_wait3A_202 = arith.constant 1 : i32
    %dma_wait3A_203 = tpu.memref_slice %arg5[%dma_wait3A_202] : memref<16x!tpu.dma_semaphore, #tpu.memory_space<semaphore_mem>> -> memref<1x!tpu.dma_semaphore, #tpu.memory_space<semaphore_mem>>
    %dma_wait3A_204 = tpu.memref_squeeze %dma_wait3A_203 : memref<1x!tpu.dma_semaphore, #tpu.memory_space<semaphore_mem>> -> memref<!tpu.dma_semaphore, #tpu.memory_space<semaphore_mem>>
    %dma_wait3A_205 = arith.constant 0 : i32
    %dma_wait3A_206 = arith.constant 0 : i32
    %dma_wait3A_207 = arith.constant 0 : i32
    %dma_wait3A_208 = tpu.memref_slice %arg1[%dma_wait3A_201, %dma_wait3A_205, %dma_wait3A_206, %dma_wait3A_207] : memref<16x144x128x256xf32, #tpu.memory_space<any>> -> memref<1x128x128x256xf32, #tpu.memory_space<any>>
    %dma_wait3A_209 = tpu.memref_squeeze %dma_wait3A_208 : memref<1x128x128x256xf32, #tpu.memory_space<any>> -> memref<128x128x256xf32, #tpu.memory_space<any>>
    tpu.wait_dma2 semaphore(%dma_wait3A_204 : memref<!tpu.dma_semaphore, #tpu.memory_space<semaphore_mem>>) src(%arg3 : memref<128x128x256xf32, #tpu.memory_space<vmem>>) dst(%dma_wait3A_209 : memref<128x128x256xf32, #tpu.memory_space<any>>)
    %dma_wait3A_210 = arith.constant 2 : i32
    %dma_wait3A_211 = arith.constant 2 : i32
    %dma_wait3A_212 = tpu.memref_slice %arg5[%dma_wait3A_211] : memref<16x!tpu.dma_semaphore, #tpu.memory_space<semaphore_mem>> -> memref<1x!tpu.dma_semaphore, #tpu.memory_space<semaphore_mem>>
    %dma_wait3A_213 = tpu.memref_squeeze %dma_wait3A_212 : memref<1x!tpu.dma_semaphore, #tpu.memory_space<semaphore_mem>> -> memref<!tpu.dma_semaphore, #tpu.memory_space<semaphore_mem>>
    %dma_wait3A_214 = arith.constant 0 : i32
    %dma_wait3A_215 = arith.constant 0 : i32
    %dma_wait3A_216 = arith.constant 0 : i32
    %dma_wait3A_217 = tpu.memref_slice %arg1[%dma_wait3A_210, %dma_wait3A_214, %dma_wait3A_215, %dma_wait3A_216] : memref<16x144x128x256xf32, #tpu.memory_space<any>> -> memref<1x128x128x256xf32, #tpu.memory_space<any>>
    %dma_wait3A_218 = tpu.memref_squeeze %dma_wait3A_217 : memref<1x128x128x256xf32, #tpu.memory_space<any>> -> memref<128x128x256xf32, #tpu.memory_space<any>>
    tpu.wait_dma2 semaphore(%dma_wait3A_213 : memref<!tpu.dma_semaphore, #tpu.memory_space<semaphore_mem>>) src(%arg3 : memref<128x128x256xf32, #tpu.memory_space<vmem>>) dst(%dma_wait3A_218 : memref<128x128x256xf32, #tpu.memory_space<any>>)
    %dma_wait3A_219 = arith.constant 3 : i32
    %dma_wait3A_220 = arith.constant 3 : i32
    %dma_wait3A_221 = tpu.memref_slice %arg5[%dma_wait3A_220] : memref<16x!tpu.dma_semaphore, #tpu.memory_space<semaphore_mem>> -> memref<1x!tpu.dma_semaphore, #tpu.memory_space<semaphore_mem>>
    %dma_wait3A_222 = tpu.memref_squeeze %dma_wait3A_221 : memref<1x!tpu.dma_semaphore, #tpu.memory_space<semaphore_mem>> -> memref<!tpu.dma_semaphore, #tpu.memory_space<semaphore_mem>>
    %dma_wait3A_223 = arith.constant 0 : i32
    %dma_wait3A_224 = arith.constant 0 : i32
    %dma_wait3A_225 = arith.constant 0 : i32
    %dma_wait3A_226 = tpu.memref_slice %arg1[%dma_wait3A_219, %dma_wait3A_223, %dma_wait3A_224, %dma_wait3A_225] : memref<16x144x128x256xf32, #tpu.memory_space<any>> -> memref<1x128x128x256xf32, #tpu.memory_space<any>>
    %dma_wait3A_227 = tpu.memref_squeeze %dma_wait3A_226 : memref<1x128x128x256xf32, #tpu.memory_space<any>> -> memref<128x128x256xf32, #tpu.memory_space<any>>
    tpu.wait_dma2 semaphore(%dma_wait3A_222 : memref<!tpu.dma_semaphore, #tpu.memory_space<semaphore_mem>>) src(%arg3 : memref<128x128x256xf32, #tpu.memory_space<vmem>>) dst(%dma_wait3A_227 : memref<128x128x256xf32, #tpu.memory_space<any>>)
    %dma_wait3A_228 = arith.constant 4 : i32
    %dma_wait3A_229 = arith.constant 4 : i32
    %dma_wait3A_230 = tpu.memref_slice %arg5[%dma_wait3A_229] : memref<16x!tpu.dma_semaphore, #tpu.memory_space<semaphore_mem>> -> memref<1x!tpu.dma_semaphore, #tpu.memory_space<semaphore_mem>>
    %dma_wait3A_231 = tpu.memref_squeeze %dma_wait3A_230 : memref<1x!tpu.dma_semaphore, #tpu.memory_space<semaphore_mem>> -> memref<!tpu.dma_semaphore, #tpu.memory_space<semaphore_mem>>
    %dma_wait3A_232 = arith.constant 0 : i32
    %dma_wait3A_233 = arith.constant 0 : i32
    %dma_wait3A_234 = arith.constant 0 : i32
    %dma_wait3A_235 = tpu.memref_slice %arg1[%dma_wait3A_228, %dma_wait3A_232, %dma_wait3A_233, %dma_wait3A_234] : memref<16x144x128x256xf32, #tpu.memory_space<any>> -> memref<1x128x128x256xf32, #tpu.memory_space<any>>
    %dma_wait3A_236 = tpu.memref_squeeze %dma_wait3A_235 : memref<1x128x128x256xf32, #tpu.memory_space<any>> -> memref<128x128x256xf32, #tpu.memory_space<any>>
    tpu.wait_dma2 semaphore(%dma_wait3A_231 : memref<!tpu.dma_semaphore, #tpu.memory_space<semaphore_mem>>) src(%arg3 : memref<128x128x256xf32, #tpu.memory_space<vmem>>) dst(%dma_wait3A_236 : memref<128x128x256xf32, #tpu.memory_space<any>>)
    %dma_wait3A_237 = arith.constant 5 : i32
    %dma_wait3A_238 = arith.constant 5 : i32
    %dma_wait3A_239 = tpu.memref_slice %arg5[%dma_wait3A_238] : memref<16x!tpu.dma_semaphore, #tpu.memory_space<semaphore_mem>> -> memref<1x!tpu.dma_semaphore, #tpu.memory_space<semaphore_mem>>
    %dma_wait3A_240 = tpu.memref_squeeze %dma_wait3A_239 : memref<1x!tpu.dma_semaphore, #tpu.memory_space<semaphore_mem>> -> memref<!tpu.dma_semaphore, #tpu.memory_space<semaphore_mem>>
    %dma_wait3A_241 = arith.constant 0 : i32
    %dma_wait3A_242 = arith.constant 0 : i32
    %dma_wait3A_243 = arith.constant 0 : i32
    %dma_wait3A_244 = tpu.memref_slice %arg1[%dma_wait3A_237, %dma_wait3A_241, %dma_wait3A_242, %dma_wait3A_243] : memref<16x144x128x256xf32, #tpu.memory_space<any>> -> memref<1x128x128x256xf32, #tpu.memory_space<any>>
    %dma_wait3A_245 = tpu.memref_squeeze %dma_wait3A_244 : memref<1x128x128x256xf32, #tpu.memory_space<any>> -> memref<128x128x256xf32, #tpu.memory_space<any>>
    tpu.wait_dma2 semaphore(%dma_wait3A_240 : memref<!tpu.dma_semaphore, #tpu.memory_space<semaphore_mem>>) src(%arg3 : memref<128x128x256xf32, #tpu.memory_space<vmem>>) dst(%dma_wait3A_245 : memref<128x128x256xf32, #tpu.memory_space<any>>)
    %dma_wait3A_246 = arith.constant 6 : i32
    %dma_wait3A_247 = arith.constant 6 : i32
    %dma_wait3A_248 = tpu.memref_slice %arg5[%dma_wait3A_247] : memref<16x!tpu.dma_semaphore, #tpu.memory_space<semaphore_mem>> -> memref<1x!tpu.dma_semaphore, #tpu.memory_space<semaphore_mem>>
    %dma_wait3A_249 = tpu.memref_squeeze %dma_wait3A_248 : memref<1x!tpu.dma_semaphore, #tpu.memory_space<semaphore_mem>> -> memref<!tpu.dma_semaphore, #tpu.memory_space<semaphore_mem>>
    %dma_wait3A_250 = arith.constant 0 : i32
    %dma_wait3A_251 = arith.constant 0 : i32
    %dma_wait3A_252 = arith.constant 0 : i32
    %dma_wait3A_253 = tpu.memref_slice %arg1[%dma_wait3A_246, %dma_wait3A_250, %dma_wait3A_251, %dma_wait3A_252] : memref<16x144x128x256xf32, #tpu.memory_space<any>> -> memref<1x128x128x256xf32, #tpu.memory_space<any>>
    %dma_wait3A_254 = tpu.memref_squeeze %dma_wait3A_253 : memref<1x128x128x256xf32, #tpu.memory_space<any>> -> memref<128x128x256xf32, #tpu.memory_space<any>>
    tpu.wait_dma2 semaphore(%dma_wait3A_249 : memref<!tpu.dma_semaphore, #tpu.memory_space<semaphore_mem>>) src(%arg3 : memref<128x128x256xf32, #tpu.memory_space<vmem>>) dst(%dma_wait3A_254 : memref<128x128x256xf32, #tpu.memory_space<any>>)
    %dma_wait3A_255 = arith.constant 7 : i32
    %dma_wait3A_256 = arith.constant 7 : i32
    %dma_wait3A_257 = tpu.memref_slice %arg5[%dma_wait3A_256] : memref<16x!tpu.dma_semaphore, #tpu.memory_space<semaphore_mem>> -> memref<1x!tpu.dma_semaphore, #tpu.memory_space<semaphore_mem>>
    %dma_wait3A_258 = tpu.memref_squeeze %dma_wait3A_257 : memref<1x!tpu.dma_semaphore, #tpu.memory_space<semaphore_mem>> -> memref<!tpu.dma_semaphore, #tpu.memory_space<semaphore_mem>>
    %dma_wait3A_259 = arith.constant 0 : i32
    %dma_wait3A_260 = arith.constant 0 : i32
    %dma_wait3A_261 = arith.constant 0 : i32
    %dma_wait3A_262 = tpu.memref_slice %arg1[%dma_wait3A_255, %dma_wait3A_259, %dma_wait3A_260, %dma_wait3A_261] : memref<16x144x128x256xf32, #tpu.memory_space<any>> -> memref<1x128x128x256xf32, #tpu.memory_space<any>>
    %dma_wait3A_263 = tpu.memref_squeeze %dma_wait3A_262 : memref<1x128x128x256xf32, #tpu.memory_space<any>> -> memref<128x128x256xf32, #tpu.memory_space<any>>
    tpu.wait_dma2 semaphore(%dma_wait3A_258 : memref<!tpu.dma_semaphore, #tpu.memory_space<semaphore_mem>>) src(%arg3 : memref<128x128x256xf32, #tpu.memory_space<vmem>>) dst(%dma_wait3A_263 : memref<128x128x256xf32, #tpu.memory_space<any>>)
    %dma_wait3A_264 = arith.constant 8 : i32
    %dma_wait3A_265 = arith.constant 8 : i32
    %dma_wait3A_266 = tpu.memref_slice %arg5[%dma_wait3A_265] : memref<16x!tpu.dma_semaphore, #tpu.memory_space<semaphore_mem>> -> memref<1x!tpu.dma_semaphore, #tpu.memory_space<semaphore_mem>>
    %dma_wait3A_267 = tpu.memref_squeeze %dma_wait3A_266 : memref<1x!tpu.dma_semaphore, #tpu.memory_space<semaphore_mem>> -> memref<!tpu.dma_semaphore, #tpu.memory_space<semaphore_mem>>
    %dma_wait3A_268 = arith.constant 0 : i32
    %dma_wait3A_269 = arith.constant 0 : i32
    %dma_wait3A_270 = arith.constant 0 : i32
    %dma_wait3A_271 = tpu.memref_slice %arg1[%dma_wait3A_264, %dma_wait3A_268, %dma_wait3A_269, %dma_wait3A_270] : memref<16x144x128x256xf32, #tpu.memory_space<any>> -> memref<1x128x128x256xf32, #tpu.memory_space<any>>
    %dma_wait3A_272 = tpu.memref_squeeze %dma_wait3A_271 : memref<1x128x128x256xf32, #tpu.memory_space<any>> -> memref<128x128x256xf32, #tpu.memory_space<any>>
    tpu.wait_dma2 semaphore(%dma_wait3A_267 : memref<!tpu.dma_semaphore, #tpu.memory_space<semaphore_mem>>) src(%arg3 : memref<128x128x256xf32, #tpu.memory_space<vmem>>) dst(%dma_wait3A_272 : memref<128x128x256xf32, #tpu.memory_space<any>>)
    %dma_wait3A_273 = arith.constant 9 : i32
    %dma_wait3A_274 = arith.constant 9 : i32
    %dma_wait3A_275 = tpu.memref_slice %arg5[%dma_wait3A_274] : memref<16x!tpu.dma_semaphore, #tpu.memory_space<semaphore_mem>> -> memref<1x!tpu.dma_semaphore, #tpu.memory_space<semaphore_mem>>
    %dma_wait3A_276 = tpu.memref_squeeze %dma_wait3A_275 : memref<1x!tpu.dma_semaphore, #tpu.memory_space<semaphore_mem>> -> memref<!tpu.dma_semaphore, #tpu.memory_space<semaphore_mem>>
    %dma_wait3A_277 = arith.constant 0 : i32
    %dma_wait3A_278 = arith.constant 0 : i32
    %dma_wait3A_279 = arith.constant 0 : i32
    %dma_wait3A_280 = tpu.memref_slice %arg1[%dma_wait3A_273, %dma_wait3A_277, %dma_wait3A_278, %dma_wait3A_279] : memref<16x144x128x256xf32, #tpu.memory_space<any>> -> memref<1x128x128x256xf32, #tpu.memory_space<any>>
    %dma_wait3A_281 = tpu.memref_squeeze %dma_wait3A_280 : memref<1x128x128x256xf32, #tpu.memory_space<any>> -> memref<128x128x256xf32, #tpu.memory_space<any>>
    tpu.wait_dma2 semaphore(%dma_wait3A_276 : memref<!tpu.dma_semaphore, #tpu.memory_space<semaphore_mem>>) src(%arg3 : memref<128x128x256xf32, #tpu.memory_space<vmem>>) dst(%dma_wait3A_281 : memref<128x128x256xf32, #tpu.memory_space<any>>)
    %dma_wait3A_282 = arith.constant 10 : i32
    %dma_wait3A_283 = arith.constant 10 : i32
    %dma_wait3A_284 = tpu.memref_slice %arg5[%dma_wait3A_283] : memref<16x!tpu.dma_semaphore, #tpu.memory_space<semaphore_mem>> -> memref<1x!tpu.dma_semaphore, #tpu.memory_space<semaphore_mem>>
    %dma_wait3A_285 = tpu.memref_squeeze %dma_wait3A_284 : memref<1x!tpu.dma_semaphore, #tpu.memory_space<semaphore_mem>> -> memref<!tpu.dma_semaphore, #tpu.memory_space<semaphore_mem>>
    %dma_wait3A_286 = arith.constant 0 : i32
    %dma_wait3A_287 = arith.constant 0 : i32
    %dma_wait3A_288 = arith.constant 0 : i32
    %dma_wait3A_289 = tpu.memref_slice %arg1[%dma_wait3A_282, %dma_wait3A_286, %dma_wait3A_287, %dma_wait3A_288] : memref<16x144x128x256xf32, #tpu.memory_space<any>> -> memref<1x128x128x256xf32, #tpu.memory_space<any>>
    %dma_wait3A_290 = tpu.memref_squeeze %dma_wait3A_289 : memref<1x128x128x256xf32, #tpu.memory_space<any>> -> memref<128x128x256xf32, #tpu.memory_space<any>>
    tpu.wait_dma2 semaphore(%dma_wait3A_285 : memref<!tpu.dma_semaphore, #tpu.memory_space<semaphore_mem>>) src(%arg3 : memref<128x128x256xf32, #tpu.memory_space<vmem>>) dst(%dma_wait3A_290 : memref<128x128x256xf32, #tpu.memory_space<any>>)
    %dma_wait3A_291 = arith.constant 11 : i32
    %dma_wait3A_292 = arith.constant 11 : i32
    %dma_wait3A_293 = tpu.memref_slice %arg5[%dma_wait3A_292] : memref<16x!tpu.dma_semaphore, #tpu.memory_space<semaphore_mem>> -> memref<1x!tpu.dma_semaphore, #tpu.memory_space<semaphore_mem>>
    %dma_wait3A_294 = tpu.memref_squeeze %dma_wait3A_293 : memref<1x!tpu.dma_semaphore, #tpu.memory_space<semaphore_mem>> -> memref<!tpu.dma_semaphore, #tpu.memory_space<semaphore_mem>>
    %dma_wait3A_295 = arith.constant 0 : i32
    %dma_wait3A_296 = arith.constant 0 : i32
    %dma_wait3A_297 = arith.constant 0 : i32
    %dma_wait3A_298 = tpu.memref_slice %arg1[%dma_wait3A_291, %dma_wait3A_295, %dma_wait3A_296, %dma_wait3A_297] : memref<16x144x128x256xf32, #tpu.memory_space<any>> -> memref<1x128x128x256xf32, #tpu.memory_space<any>>
    %dma_wait3A_299 = tpu.memref_squeeze %dma_wait3A_298 : memref<1x128x128x256xf32, #tpu.memory_space<any>> -> memref<128x128x256xf32, #tpu.memory_space<any>>
    tpu.wait_dma2 semaphore(%dma_wait3A_294 : memref<!tpu.dma_semaphore, #tpu.memory_space<semaphore_mem>>) src(%arg3 : memref<128x128x256xf32, #tpu.memory_space<vmem>>) dst(%dma_wait3A_299 : memref<128x128x256xf32, #tpu.memory_space<any>>)
    %dma_wait3A_300 = arith.constant 12 : i32
    %dma_wait3A_301 = arith.constant 12 : i32
    %dma_wait3A_302 = tpu.memref_slice %arg5[%dma_wait3A_301] : memref<16x!tpu.dma_semaphore, #tpu.memory_space<semaphore_mem>> -> memref<1x!tpu.dma_semaphore, #tpu.memory_space<semaphore_mem>>
    %dma_wait3A_303 = tpu.memref_squeeze %dma_wait3A_302 : memref<1x!tpu.dma_semaphore, #tpu.memory_space<semaphore_mem>> -> memref<!tpu.dma_semaphore, #tpu.memory_space<semaphore_mem>>
    %dma_wait3A_304 = arith.constant 0 : i32
    %dma_wait3A_305 = arith.constant 0 : i32
    %dma_wait3A_306 = arith.constant 0 : i32
    %dma_wait3A_307 = tpu.memref_slice %arg1[%dma_wait3A_300, %dma_wait3A_304, %dma_wait3A_305, %dma_wait3A_306] : memref<16x144x128x256xf32, #tpu.memory_space<any>> -> memref<1x128x128x256xf32, #tpu.memory_space<any>>
    %dma_wait3A_308 = tpu.memref_squeeze %dma_wait3A_307 : memref<1x128x128x256xf32, #tpu.memory_space<any>> -> memref<128x128x256xf32, #tpu.memory_space<any>>
    tpu.wait_dma2 semaphore(%dma_wait3A_303 : memref<!tpu.dma_semaphore, #tpu.memory_space<semaphore_mem>>) src(%arg3 : memref<128x128x256xf32, #tpu.memory_space<vmem>>) dst(%dma_wait3A_308 : memref<128x128x256xf32, #tpu.memory_space<any>>)
    %dma_wait3A_309 = arith.constant 13 : i32
    %dma_wait3A_310 = arith.constant 13 : i32
    %dma_wait3A_311 = tpu.memref_slice %arg5[%dma_wait3A_310] : memref<16x!tpu.dma_semaphore, #tpu.memory_space<semaphore_mem>> -> memref<1x!tpu.dma_semaphore, #tpu.memory_space<semaphore_mem>>
    %dma_wait3A_312 = tpu.memref_squeeze %dma_wait3A_311 : memref<1x!tpu.dma_semaphore, #tpu.memory_space<semaphore_mem>> -> memref<!tpu.dma_semaphore, #tpu.memory_space<semaphore_mem>>
    %dma_wait3A_313 = arith.constant 0 : i32
    %dma_wait3A_314 = arith.constant 0 : i32
    %dma_wait3A_315 = arith.constant 0 : i32
    %dma_wait3A_316 = tpu.memref_slice %arg1[%dma_wait3A_309, %dma_wait3A_313, %dma_wait3A_314, %dma_wait3A_315] : memref<16x144x128x256xf32, #tpu.memory_space<any>> -> memref<1x128x128x256xf32, #tpu.memory_space<any>>
    %dma_wait3A_317 = tpu.memref_squeeze %dma_wait3A_316 : memref<1x128x128x256xf32, #tpu.memory_space<any>> -> memref<128x128x256xf32, #tpu.memory_space<any>>
    tpu.wait_dma2 semaphore(%dma_wait3A_312 : memref<!tpu.dma_semaphore, #tpu.memory_space<semaphore_mem>>) src(%arg3 : memref<128x128x256xf32, #tpu.memory_space<vmem>>) dst(%dma_wait3A_317 : memref<128x128x256xf32, #tpu.memory_space<any>>)
    %dma_wait3A_318 = arith.constant 14 : i32
    %dma_wait3A_319 = arith.constant 14 : i32
    %dma_wait3A_320 = tpu.memref_slice %arg5[%dma_wait3A_319] : memref<16x!tpu.dma_semaphore, #tpu.memory_space<semaphore_mem>> -> memref<1x!tpu.dma_semaphore, #tpu.memory_space<semaphore_mem>>
    %dma_wait3A_321 = tpu.memref_squeeze %dma_wait3A_320 : memref<1x!tpu.dma_semaphore, #tpu.memory_space<semaphore_mem>> -> memref<!tpu.dma_semaphore, #tpu.memory_space<semaphore_mem>>
    %dma_wait3A_322 = arith.constant 0 : i32
    %dma_wait3A_323 = arith.constant 0 : i32
    %dma_wait3A_324 = arith.constant 0 : i32
    %dma_wait3A_325 = tpu.memref_slice %arg1[%dma_wait3A_318, %dma_wait3A_322, %dma_wait3A_323, %dma_wait3A_324] : memref<16x144x128x256xf32, #tpu.memory_space<any>> -> memref<1x128x128x256xf32, #tpu.memory_space<any>>
    %dma_wait3A_326 = tpu.memref_squeeze %dma_wait3A_325 : memref<1x128x128x256xf32, #tpu.memory_space<any>> -> memref<128x128x256xf32, #tpu.memory_space<any>>
    tpu.wait_dma2 semaphore(%dma_wait3A_321 : memref<!tpu.dma_semaphore, #tpu.memory_space<semaphore_mem>>) src(%arg3 : memref<128x128x256xf32, #tpu.memory_space<vmem>>) dst(%dma_wait3A_326 : memref<128x128x256xf32, #tpu.memory_space<any>>)
    %dma_wait3A_327 = arith.constant 15 : i32
    %dma_wait3A_328 = arith.constant 15 : i32
    %dma_wait3A_329 = tpu.memref_slice %arg5[%dma_wait3A_328] : memref<16x!tpu.dma_semaphore, #tpu.memory_space<semaphore_mem>> -> memref<1x!tpu.dma_semaphore, #tpu.memory_space<semaphore_mem>>
    %dma_wait3A_330 = tpu.memref_squeeze %dma_wait3A_329 : memref<1x!tpu.dma_semaphore, #tpu.memory_space<semaphore_mem>> -> memref<!tpu.dma_semaphore, #tpu.memory_space<semaphore_mem>>
    %dma_wait3A_331 = arith.constant 0 : i32
    %dma_wait3A_332 = arith.constant 0 : i32
    %dma_wait3A_333 = arith.constant 0 : i32
    %dma_wait3A_334 = tpu.memref_slice %arg1[%dma_wait3A_327, %dma_wait3A_331, %dma_wait3A_332, %dma_wait3A_333] : memref<16x144x128x256xf32, #tpu.memory_space<any>> -> memref<1x128x128x256xf32, #tpu.memory_space<any>>
    %dma_wait3A_335 = tpu.memref_squeeze %dma_wait3A_334 : memref<1x128x128x256xf32, #tpu.memory_space<any>> -> memref<128x128x256xf32, #tpu.memory_space<any>>
    tpu.wait_dma2 semaphore(%dma_wait3A_330 : memref<!tpu.dma_semaphore, #tpu.memory_space<semaphore_mem>>) src(%arg3 : memref<128x128x256xf32, #tpu.memory_space<vmem>>) dst(%dma_wait3A_335 : memref<128x128x256xf32, #tpu.memory_space<any>>)
    return
  }
}

</mosaic_0001>

<sc_bundles>
// kernel: kernel.4.cloned.1.call-start
scs
__scs_entry_jumppad:
0x0: {  	(pc) =	sbr.rel $0x88, $3  }
0x1: {  	(tag) =	ssettag $0x0;
	lr =	simm.s32 $0x1  }
0x2: {  	[smem:$0x3FA0] =	sst lr;
	_ =	strace $0xD0000000  }
0x3: {  	_ = 	snop  }
0x4: {  	_ = 	snop  }
0x5: {  	_ = 	snop  }
0x6: {  	_ = 	snop  }
0x7: {  	_ = 	snop  }
__scs_overlays_trampoline_lowered:
0x8: {  	[smem:$0x3FAF] =	sst s0  }
0x9: {  	[smem:$0x3FB0] =	sst s1  }
0xa: {  	[smem:$0x3FB1] =	sst s2  }
0xb: {  	[smem:$0x3FB2] =	sst s3  }
0xc: {  	[smem:$0x3FB3] =	sst s4  }
0xd: {  	[smem:$0x3FB4] =	sst s5  }
0xe: {  	[smem:$0x3FB5] =	sst s6  }
0xf: {  	[smem:$0x3FB6] =	sst s7  }
0x10: {  	[smem:$0x3FB7] =	sst s8  }
0x11: {  	[smem:$0x3FB8] =	sst s9;
	s0 =	simm.s32 @!p0 $0x0  }
0x12: {  	s1 =	sld [smem:$0x3F9E];
	s0 =	simm.s32 @p0 $0x1  }
0x13: {  	[smem:$0x3FB9] =	sst s0;
	s0 =	simm.s32 @!p1 $0x0  }
0x14: {  	s2 =	sld [smem:$0x3F9D];
	s0 =	simm.s32 @p1 $0x1  }
0x15: {  	[smem:$0x3FBA] =	sst s0;
	s0 =	simm.s32 @!p2 $0x0  }
0x16: {  	s3 =	sld [smem:$0x3FDB];
	s0 =	simm.s32 @p2 $0x1  }
0x17: {  	s4 =	simm.s32 $0x1BF5;
	[smem:$0x3FBC] =	sst s0  }
0x18: {  	s0 =	sld [smem:$0x3F9F];
	_ =	swait.ge [sflag:s4], $0x0  }
0x19: {  	s7 =	sld [smem:$0x3FA0]  }
0x1a: {  	s8 =	sadd.s32 $0xFFFFE003, lr  }
0x1b: {  	s9 =	sadd.s32 $0xFFFFFEF7, lr;
	s5 =	simm.s32 $0xFFFFFFFF;
	p2 =	slt.u32 s8, $0xFFFFF086  }
0x1c: {  	p1 =	slt.u32 s9, $0xF7A;
	s5 =	simm.s32 @!p2 $0x0  }
0x1d: {  	s5 =	simm.s32 @p1 $0x1;
	p0 =	seq.s32 s7, s2  }
0x1e: {  	s7 =	smul.u32 @!p0 $0xF7A, s2;
	p2 =	seq.s32 @!p0 s5, $0x0  }
0x1f: {  	s9 =	smul.u32 $0xF7A, s1;
	s8 =	simm.s32 @!p0 $0x1BF5;
	p2 =	por !p2, p0  }
0x20: {  	[sflag:s8] =	ssyncset.s32 @!p0 $0xFFFFF086;
	s6 =	sadd.s32 @!p0 s3, s7;
	s7 =	simm.s32 @!p0 $0x108  }
0x21: {  	s3 =	sadd.s32 s3, s9;
	s6 =	sadd.s32 @!p0 $0x88, s6;
	s7 =	simm.s32 @p2 $0x1082  }
0x22: {  	[simem:s7], [sflag:s8] =	dma.local @!p0 [hbm:s6], $0xF7A  }
0x23: {  	s9 =	sor.u32 $0xD0000000, s2;
	s6 =	simm.s32 $0x108;
	_ =	swait.ge @!p0 [sflag:s8], $0x0  }
0x24: {  	s3 =	sadd.s32 $0x88, s3;
	s6 =	simm.s32 @!p1 $0x1082;
	[sflag:s4] =	ssyncset.s32 $0xFFFFF086  }
0x25: {  	[simem:s6], [sflag:s4] =	dma.local [hbm:s3], $0xF7A  }
0x26: {  	[smem:$0x3FA0] =	sst s1;
	(tag) =	ssettag s2;
	_ =	strace s9  }
0x27: {  	s1 =	sld [smem:$0x3FB0]  }
0x28: {  	s2 =	sld [smem:$0x3FB1]  }
0x29: {  	s4 =	sld [smem:$0x3FB3]  }
0x2a: {  	p0 =	seq.s32 s5, $0x0;
	s5 =	sld [smem:$0x3FB4]  }
0x2b: {  	s6 =	sld [smem:$0x3FB5]  }
0x2c: {  	s7 =	sld [smem:$0x3FB6]  }
0x2d: {  	s3 =	simm.s32 $0x108;
	s8 =	sld [smem:$0x3FB7]  }
0x2e: {  	s3 =	simm.s32 @!p0 $0x1082;
	s9 =	sld [smem:$0x3FB8]  }
0x2f: {  	lr =	sadd.s32 s0, s3;
	s0 =	sld [smem:$0x3FAF]  }
0x30: {  	s3 =	sld [smem:$0x3FB2]  }
0x31: {  	[smem:$0x3FBB] =	sst s10  }
0x32: {  	s10 =	sld [smem:$0x3FB9];
	_ =	sdelay $0x3  }
0x33: {  	p0 =	seq.s32 s10, $0x1;
	s10 =	sld [smem:$0x3FBB];
	_ =	sdelay $0x3  }
0x34: {  	[smem:$0x3FBB] =	sst s10  }
0x35: {  	s10 =	sld [smem:$0x3FBA];
	_ =	sdelay $0x3  }
0x36: {  	p1 =	seq.s32 s10, $0x1;
	s10 =	sld [smem:$0x3FBB];
	_ =	sdelay $0x3  }
0x37: {  	[smem:$0x3FBB] =	sst s10  }
0x38: {  	s10 =	sld [smem:$0x3FBC]  }
0x39: {  	_ = 	snop;
	(pc) =	sbr.ind lr, $3  }
0x3a: {  	_ = 	snop  }
0x3b: {  	_ = 	snop  }
0x3c: {  	p2 =	seq.s32 s10, $0x1;
	s10 =	sld [smem:$0x3FBB]  }
0x3d: {  	_ =	shalt  }
0x3e: {  	_ =	shalt  }
0x3f: {  	_ =	shalt  }
0x40: {  	_ =	shalt  }
0x41: {  	_ =	shalt  }
0x42: {  	_ =	shalt  }
0x43: {  	_ =	shalt  }
0x44: {  	_ =	shalt  }
0x45: {  	_ =	shalt  }
0x46: {  	_ =	shalt  }
0x47: {  	_ =	shalt  }
0x48: {  	_ =	shalt  }
0x49: {  	_ =	shalt  }
0x4a: {  	_ =	shalt  }
0x4b: {  	_ =	shalt  }
0x4c: {  	_ =	shalt  }
0x4d: {  	_ =	shalt  }
0x4e: {  	_ =	shalt  }
0x4f: {  	_ =	shalt  }
0x50: {  	_ =	shalt  }
0x51: {  	_ =	shalt  }
0x52: {  	_ =	shalt  }
0x53: {  	_ =	shalt  }
0x54: {  	_ =	shalt  }
0x55: {  	_ =	shalt  }
0x56: {  	_ =	shalt  }
0x57: {  	_ =	shalt  }
0x58: {  	_ =	shalt  }
0x59: {  	_ =	shalt  }
0x5a: {  	_ =	shalt  }
0x5b: {  	_ =	shalt  }
0x5c: {  	_ =	shalt  }
0x5d: {  	_ =	shalt  }
0x5e: {  	_ =	shalt  }
0x5f: {  	_ =	shalt  }
0x60: {  	_ =	shalt  }
0x61: {  	_ =	shalt  }
0x62: {  	_ =	shalt  }
0x63: {  	_ =	shalt  }
0x64: {  	_ =	shalt  }
0x65: {  	_ =	shalt  }
0x66: {  	_ =	shalt  }
0x67: {  	_ =	shalt  }
0x68: {  	_ =	shalt  }
0x69: {  	_ =	shalt  }
0x6a: {  	_ =	shalt  }
0x6b: {  	_ =	shalt  }
0x6c: {  	_ =	shalt  }
0x6d: {  	_ =	shalt  }
0x6e: {  	_ =	shalt  }
0x6f: {  	_ =	shalt  }
0x70: {  	_ =	shalt  }
0x71: {  	_ =	shalt  }
0x72: {  	_ =	shalt  }
0x73: {  	_ =	shalt  }
0x74: {  	_ =	shalt  }
0x75: {  	_ =	shalt  }
0x76: {  	_ =	shalt  }
0x77: {  	_ =	shalt  }
0x78: {  	_ =	shalt  }
0x79: {  	_ =	shalt  }
0x7a: {  	_ =	shalt  }
0x7b: {  	_ =	shalt  }
0x7c: {  	_ =	shalt  }
0x7d: {  	_ =	shalt  }
0x7e: {  	_ =	shalt  }
0x7f: {  	_ =	shalt  }
0x80: {  	_ =	shalt  }
0x81: {  	_ =	shalt  }
0x82: {  	_ =	shalt  }
0x83: {  	_ =	shalt  }
0x84: {  	_ =	shalt  }
0x85: {  	_ =	shalt  }
0x86: {  	_ =	shalt  }
0x87: {  	_ =	shalt  }
.Lfunc_end0:
.L_simem_size_0:
called_computation_lowered:
.L_overlay_start_0:
0x88: {  	s2 =	sld [smem:$0x3FD9]  }
0x89: {  	s3 =	sld [smem:$0x3FFE];
	_ =	sdelay $0x1  }
0x8a: {  	s1 =	srdreg.scid  }
0x8b: {  	s0 =	sand.u32 $0x1, s1  }
0x8c: {  	s17 =	sshll.u32 s0, $0xA;
	s2 =	sadd.s32 s3, s2  }
0x8d: {  	s2 =	sadd.s32 s2, s17  }
0x8e: {  	[smem:$0x3FC7] =	sst s2  }
0x8f: {  	_ = 	snop  }
0x90: {  	s2 =	sld [smem:$0x3FD0];
	(tm) =	ssettm $0x1  }
0x91: {  	s18 =	sld [smem:$0x3FFB];
	_ =	sdelay $0x3  }
0x92: {  	_ =	strace s18  }
0x93: {  	s3 =	sld [smem:$0x3FFC];
	_ =	sdelay $0x3  }
0x94: {  	_ =	strace s3  }
0x95: {  	s3 =	sld [smem:$0x3FFD];
	_ =	sdelay $0x3  }
0x96: {  	_ =	strace s3  }
0x97: {  	_ =	strace $0x8FFFFFFF  }
0x98: {  	s19 =	sld [smem:$0x3FDB];
	_ =	sdelay $0x1  }
0x99: {  	s4 =	simm.s32 $_scs_section_size  }
0x9a: {  	s5 =	simm.s32 $_size__tile_overlayer_lowered;
	s6 =	simm.s32 $_tile_overlayer_lowered  }
0x9b: {  	s22 =	simm.s32 $0x1BFF;
	s21 =	sshll.u32 s6, $0x1;
	s3 =	sadd.s32 s4, s19  }
0x9c: {  	s7 =	simm.s32 $0x0;
	s20 =	sshll.u32 s5, $0x1;
	s5 =	sadd.s32 s21, s3  }
0x9d: {  	[timem:s7], [sflag:s22] =	dma.local [hbm:s5], s20  }
0x9e: {  	_ =	swait.ge [sflag:s22], s20  }
0x9f: {  	s4 =	ssub.s32 $0x0, s20;
	[sflag:s22] =	ssyncset.done $0x0  }
0xa0: {  	[sflag:s22] =	ssyncadd.s32 s4;
	_ =	sdelay $0x1  }
0xa1: {  	s23 =	simm.s32 $0x1B8B  }
0xa2: {  	_ =	swait.ge [sflag:s23], $0x1  }
0xa3: {  	[sflag:s23] =	ssyncset.done $0x0  }
0xa4: {  	s25 =	simm.s32 $0x1B8E;
	s24 =	sld [smem:$0x3FFE];
	[sflag:s23] =	ssyncadd.s32 $0xFFFFFFFF  }
0xa5: {  	s26 =	simm.s32 $execute0_lowered;
	[smem:$0x3FD2] =	sst s25  }
0xa6: {  	s5 =	sshll.u32 s26, $0x1;
	_ =	strace $0x80000046;
	[dreg:$0x1] =	wrdreg $0xFFFFFFFF  }
0xa7: {  	s28 =	simm.s32 $_size_execute0_lowered;
	s3 =	sadd.s32 s3, s5;
	[dreg:$0x0] =	wrdreg $0x0  }
0xa8: {  	s5 =	sshll.u32 s28, $0x1;
	[dreg:$0x2] =	wrdreg s3  }
0xa9: {  	[dreg:$0x3] =	wrdreg s5  }
0xaa: {  	[dreg:$0x4] =	wrdreg $0xC0  }
0xab: {  	_ =	task [dreg:s7], $0x5FFFF  }
0xac: {  	[dreg:$0x1] =	wrdreg $0xFFFFFFFF  }
0xad: {  	[dreg:$0x0] =	wrdreg $0x60  }
0xae: {  	[dreg:$0x2] =	wrdreg s24  }
0xaf: {  	[dreg:$0x3] =	wrdreg s2  }
0xb0: {  	[dreg:$0x4] =	wrdreg $0x9  }
0xb1: {  	_ =	task.clear_ibuf [dreg:s7], $0x5FFFF;
	_ =	strace $0x90000046  }
0xb2: {  	s29 =	simm.s32 $0x9;
	_ =	strace $0x80000048  }
0xb3: {  	_ =	swait.ge [sflag:s29], $0x1  }
0xb4: {  	[sflag:s29] =	ssyncadd.s32 $0xFFFFFFFF  }
0xb5: {  	_ =	strace $0x90000048  }
0xb6: {  	_ =	sfence  }
0xb7: {  	s30 =	sld [smem:$0x0];
	_ =	sdelay $0x2  }
0xb8: {  	s31 =	sshll.u32 s1, $0xD;
	s1 =	sshrl.u32 s1, $0x2  }
0xb9: {  	s3 =	sand.u32 $0x4000, s31;
	s1 =	sadd.s32 s1, s30  }
0xba: {  	s0 =	sor.u32 s3, s0;
	s1 =	sshll.u32 s1, $0x11  }
0xbb: {  	s0 =	sor.u32 s1, s0  }
0xbc: {  	s0 =	sadd.s32 $0x8F2B, s0  }
0xbd: {  	[sflag:s0] =	ssyncadd.remote.s32 $0x1  }
0xbe: {  	_ =	sfence.sel $0xFFFF  }
0xbf: {  	[dreg:$0x0] =	wrdreg $0xFFFFFFFF;
	(pc) =	sbr.abs _section_cstart, $3  }
0xc0: {  	[dreg:$0x1] =	wrdreg $0xFFFFFFFF  }
0xc1: {  	_ =	task.clear_ibuf [dreg:s7], $0x2FFFF;
	_ =	strace $0x9FFFFFFF  }
0xc2: {  	(tm) =	ssettm $0x7FFFFFFF  }
0xc3: {  	_ =	shalt  }
tec
execute0_lowered:
.L_overlay_start_1:
0x0: {  	(tag) =	ssettag $0x1  }
0x1: {  	s3 =	rddreg [dreg:$0x0];
	s0 =	stileid.u32  }
0x2: {  	s5 =	rddreg [dreg:$0x1];
	s2 =	srdreg.scid;
	s4 =	sshll.u32 s0, $0x1  }
0x3: {  	s1 =	rddreg [dreg:$0x2];
	s14 =	sand.u32 $0x1, s2;
	s4 =	sand.u32 $0xE, s4  }
0x4: {  	s2 =	simm.s32 $0x0;
	s6 =	sshrl.u32 s0, $0x3;
	s4 =	sor.u32 s14, s4  }
0x5: {  	[smem:$0x7FF] =	sst s2;
	s6 =	smul.u32 $0x2400000, s6;
	s7 =	sshll.u32 s4, $0xC  }
0x6: {  	_ =	strace $0x80000047;
	s4 =	sshll.u32 s4, $0xF;
	s3 =	sadd.s32 s7, s3  }
0x7: {  	s6 =	sor.u32 s4, s6;
	s4 =	simm.s32 $0x2;
	s3 =	sadd.s32 $0x800, s3  }
0x8: {  	[tilespmem:s2], [sflag:$0x2] =	stream.linear.gather [hbm4b:s3+s2], $0x8000, $0x38;
	[tilespmem:$0x8000] =	vst v63  }
0x9: {  	s6 =	sadd.s32 $0x400000, s6;
	_ =	swait.ge [sflag:s4], $0x8000  }
0xa: {  	s6 =	sshrl.u32 s6, $0x3;
	[sflag:s4] =	ssyncset.done $0x0  }
0xb: {  	s5 =	sadd.s32 s5, s6;
	[sflag:s4] =	ssyncadd.s32 $0xFFFF8000  }
0xc: {  	[hbm4b:s5+s2] =	stream.linear.scatter [tilespmem:s2], [sflag:$0x1], $0x8000, $0x38;
	[tilespmem:$0x8000] =	vst v63  }
0xd: {  	s6 =	sadd.s32 $0x90000, s5  }
0xe: {  	[hbm4b:s6+s2] =	stream.linear.scatter [tilespmem:s2], [sflag:$0x1], $0x8000, $0x38;
	[tilespmem:$0x8000] =	vst v63  }
0xf: {  	s7 =	sadd.s32 $0x120000, s5  }
0x10: {  	[hbm4b:s7+s2] =	stream.linear.scatter [tilespmem:s2], [sflag:$0x1], $0x8000, $0x38;
	[tilespmem:$0x8000] =	vst v63  }
0x11: {  	s8 =	sadd.s32 $0x1B0000, s5  }
0x12: {  	[hbm4b:s8+s2] =	stream.linear.scatter [tilespmem:s2], [sflag:$0x1], $0x8000, $0x38;
	[tilespmem:$0x8000] =	vst v63  }
0x13: {  	s9 =	sadd.s32 $0x240000, s5  }
0x14: {  	[hbm4b:s9+s2] =	stream.linear.scatter [tilespmem:s2], [sflag:$0x1], $0x8000, $0x38;
	[tilespmem:$0x8000] =	vst v63  }
0x15: {  	s10 =	sadd.s32 $0x2D0000, s5  }
0x16: {  	[hbm4b:s10+s2] =	stream.linear.scatter [tilespmem:s2], [sflag:$0x1], $0x8000, $0x38;
	[tilespmem:$0x8000] =	vst v63  }
0x17: {  	s11 =	sadd.s32 $0x360000, s5  }
0x18: {  	[hbm4b:s11+s2] =	stream.linear.scatter [tilespmem:s2], [sflag:$0x1], $0x8000, $0x38;
	[tilespmem:$0x8000] =	vst v63  }
0x19: {  	s12 =	simm.s32 $0x1;
	s13 =	sadd.s32 $0x3F0000, s5  }
0x1a: {  	[hbm4b:s13+s2] =	stream.linear.scatter [tilespmem:s2], [sflag:$0x1], $0x8000, $0x38;
	[tilespmem:$0x8000] =	vst v63  }
0x1b: {  	_ =	swait.ge [sflag:s12], $0x8000  }
0x1c: {  	[sflag:s12] =	ssyncset.done $0x0  }
0x1d: {  	[sflag:s12] =	ssyncadd.s32 $0xFFFF8000  }
0x1e: {  	_ =	swait.ge [sflag:s12], $0x8000  }
0x1f: {  	[sflag:s12] =	ssyncset.done $0x0  }
0x20: {  	[sflag:s12] =	ssyncadd.s32 $0xFFFF8000  }
0x21: {  	_ =	swait.ge [sflag:s12], $0x8000  }
0x22: {  	[sflag:s12] =	ssyncset.done $0x0  }
0x23: {  	[sflag:s12] =	ssyncadd.s32 $0xFFFF8000  }
0x24: {  	_ =	swait.ge [sflag:s12], $0x8000  }
0x25: {  	[sflag:s12] =	ssyncset.done $0x0  }
0x26: {  	[sflag:s12] =	ssyncadd.s32 $0xFFFF8000  }
0x27: {  	_ =	swait.ge [sflag:s12], $0x8000  }
0x28: {  	s14 =	ssub.s32 $0x2, s14;
	[sflag:s12] =	ssyncset.done $0x0  }
0x29: {  	s15 =	sshrl.u32 s14, $0x1;
	[sflag:s12] =	ssyncadd.s32 $0xFFFF8000  }
0x2a: {  	s14 =	ssub.s32 s14, s15;
	_ =	swait.ge [sflag:s12], $0x8000  }
0x2b: {  	s14 =	smax.u32 s14, $0x1;
	[sflag:s12] =	ssyncset.done $0x0  }
0x2c: {  	p0 =	sne.s32 s14, $0x1;
	[sflag:s12] =	ssyncadd.s32 $0xFFFF8000  }
.Ltmp0:
0x2d: {  	_ =	swait.ge [sflag:s12], $0x8000;
	(pc) =	sbr.rel @!p0 .LBB2_2-.Ltmp0, $4  }
0x2e: {  	[sflag:s12] =	ssyncset.done $0x0  }
0x2f: {  	[sflag:s12] =	ssyncadd.s32 $0xFFFF8000  }
0x30: {  	_ =	swait.ge [sflag:s12], $0x8000  }
0x31: {  	s14 =	sadd.s32 $0xFFFFFFFF, s14;
	[sflag:s12] =	ssyncset.done $0x0  }
.LBB2_1:
0x32: {  	p0 =	sne.s32 s14, $0x1;
	s14 =	sadd.s32 $0xFFFFFFFF, s14;
	[sflag:s12] =	ssyncadd.s32 $0xFFFF8000  }
0x33: {  	[tilespmem:s2], [sflag:$0x2] =	stream.linear.gather [hbm4b:s3+s2], $0x8000, $0x38;
	[tilespmem:$0x8000] =	vst v63  }
0x34: {  	_ =	swait.ge [sflag:s4], $0x8000  }
0x35: {  	[sflag:s4] =	ssyncset.done $0x0  }
0x36: {  	[sflag:s4] =	ssyncadd.s32 $0xFFFF8000  }
0x37: {  	[hbm4b:s5+s2] =	stream.linear.scatter [tilespmem:s2], [sflag:$0x1], $0x8000, $0x38;
	[tilespmem:$0x8000] =	vst v63  }
0x38: {  	_ = 	snop  }
0x39: {  	[hbm4b:s6+s2] =	stream.linear.scatter [tilespmem:s2], [sflag:$0x1], $0x8000, $0x38;
	[tilespmem:$0x8000] =	vst v63  }
0x3a: {  	_ = 	snop  }
0x3b: {  	[hbm4b:s7+s2] =	stream.linear.scatter [tilespmem:s2], [sflag:$0x1], $0x8000, $0x38;
	[tilespmem:$0x8000] =	vst v63  }
0x3c: {  	_ = 	snop  }
0x3d: {  	[hbm4b:s8+s2] =	stream.linear.scatter [tilespmem:s2], [sflag:$0x1], $0x8000, $0x38;
	[tilespmem:$0x8000] =	vst v63  }
0x3e: {  	_ = 	snop  }
0x3f: {  	[hbm4b:s9+s2] =	stream.linear.scatter [tilespmem:s2], [sflag:$0x1], $0x8000, $0x38;
	[tilespmem:$0x8000] =	vst v63  }
0x40: {  	_ = 	snop  }
0x41: {  	[hbm4b:s10+s2] =	stream.linear.scatter [tilespmem:s2], [sflag:$0x1], $0x8000, $0x38;
	[tilespmem:$0x8000] =	vst v63  }
0x42: {  	_ = 	snop  }
0x43: {  	[hbm4b:s11+s2] =	stream.linear.scatter [tilespmem:s2], [sflag:$0x1], $0x8000, $0x38;
	[tilespmem:$0x8000] =	vst v63  }
0x44: {  	_ = 	snop  }
0x45: {  	[hbm4b:s13+s2] =	stream.linear.scatter [tilespmem:s2], [sflag:$0x1], $0x8000, $0x38;
	[tilespmem:$0x8000] =	vst v63  }
0x46: {  	_ =	swait.ge [sflag:s12], $0x8000  }
0x47: {  	[sflag:s12] =	ssyncset.done $0x0  }
0x48: {  	[sflag:s12] =	ssyncadd.s32 $0xFFFF8000  }
0x49: {  	_ =	swait.ge [sflag:s12], $0x8000  }
0x4a: {  	[sflag:s12] =	ssyncset.done $0x0  }
0x4b: {  	[sflag:s12] =	ssyncadd.s32 $0xFFFF8000  }
0x4c: {  	_ =	swait.ge [sflag:s12], $0x8000  }
0x4d: {  	[sflag:s12] =	ssyncset.done $0x0  }
0x4e: {  	[sflag:s12] =	ssyncadd.s32 $0xFFFF8000  }
0x4f: {  	_ =	swait.ge [sflag:s12], $0x8000  }
0x50: {  	[sflag:s12] =	ssyncset.done $0x0  }
0x51: {  	[sflag:s12] =	ssyncadd.s32 $0xFFFF8000  }
0x52: {  	_ =	swait.ge [sflag:s12], $0x8000  }
0x53: {  	[sflag:s12] =	ssyncset.done $0x0  }
0x54: {  	[sflag:s12] =	ssyncadd.s32 $0xFFFF8000  }
0x55: {  	_ =	swait.ge [sflag:s12], $0x8000  }
0x56: {  	[sflag:s12] =	ssyncset.done $0x0  }
0x57: {  	[sflag:s12] =	ssyncadd.s32 $0xFFFF8000  }
.Ltmp1:
0x58: {  	_ =	swait.ge [sflag:s12], $0x8000;
	(pc) =	sbr.rel @p0 .LBB2_1-.Ltmp1, $4  }
0x59: {  	[sflag:s12] =	ssyncset.done $0x0  }
0x5a: {  	[sflag:s12] =	ssyncadd.s32 $0xFFFF8000  }
0x5b: {  	_ =	swait.ge [sflag:s12], $0x8000  }
0x5c: {  	[sflag:s12] =	ssyncset.done $0x0  }
.LBB2_2:
0x5d: {  	[sflag:s12] =	ssyncadd.s32 $0xFFFF8000  }
0x5e: {  	_ =	sfence.sel $0x180000  }
0x5f: {  	[bflag:$0x0] =	sbarrier.arrive $0xFFFF  }
0x60: {  	p0 =	sne.s32 s0, $0x0;
	_ =	strace $0x90000047  }
0x61: {  	s0 =	sadd.s32 @!p0 $0x100000, s1;
	[bflag:$0x2] =	sbarrier.arrive $0xFFFF  }
0x62: {  	[sflag:s0] =	ssyncadd.tile.s32 @!p0 $0x1;
	_ =	shalt  }
.Lfunc_end2:
_tile_overlayer_lowered:
.L_overlay_start_2:
0x63: {  	(tag) =	ssettag $0x2  }
0x64: {  	s0 =	rddreg [dreg:$0x0];
	s2 =	stileid.u32  }
0x65: {  	s1 =	rddreg [dreg:$0x1];
	p0 =	sne.s32 s2, $0x0  }
0x66: {  	s3 =	rddreg [dreg:$0x2];
	[bflag:$0x3] =	sbarrier.arrive $0xFFFF;
	s2 =	simm.s32 @!p0 $0x1C02  }
0x67: {  	[timem:s3], [sflag:s2] =	dma.local @!p0 [hbm:s0], s1  }
0x68: {  	s0 =	simm.s32 @!p0 $0x2  }
0x69: {  	_ =	swait.ge @!p0 [sflag:s0], s1  }
0x6a: {  	s1 =	ssub.s32 @!p0 $0x0, s1;
	[sflag:s0] =	ssyncset.done @!p0 $0x0  }
0x6b: {  	[sflag:s0] =	ssyncadd.s32 @!p0 s1  }
0x6c: {  	[bflag:$0x3] =	sbarrier.arrive $0xFFFF  }
0x6d: {  	_ =	shalt  }

</sc_bundles>
